<compile_context>
chip_gen: v7x
topology: tpu7x:2x2x1
jax: 0.10.2.dev20260603
libtpu: 0.0.44.dev20260713+nightly
codegen_flags: <defaults>
</compile_context>

<pallas_src>
import functools

import jax
import jax.numpy as jnp
from jax import lax
from jax.experimental import pallas as pl
from jax.experimental.pallas import tpu as pltpu
from jax.experimental.pallas import tpu_sc as plsc

D = 64
DP = 128
SEQ = 200
B = 1024

NC = 2
NS = 16
NW = NC * NS
SEQS_PER_W = B // NW
NBUF = 4
NGROUPS = SEQS_PER_W // NBUF
GI = 40
NG = SEQ // GI


def _emb_body(x_hbm, tok_hbm, pos_hbm, out_hbm, idx_all, rows_v, pos_sh,
              sem_pre, sem_g, sem_wb):
    wid = lax.axis_index("s") * NC + lax.axis_index("c")

    @pl.when(lax.axis_index("s") == 0)
    def _():
        pltpu.sync_copy(pos_hbm, pos_sh)

    plsc.subcore_barrier()

    pltpu.sync_copy(x_hbm.at[pl.ds(wid * SEQS_PER_W * SEQ, SEQS_PER_W * SEQ)],
                    idx_all)

    seq0 = wid * SEQS_PER_W

    def group(g, carry):
        for b in range(NBUF):
            j = g * NBUF + b

            @pl.when(g > 0)
            def _(b=b, j=j):
                pltpu.make_async_copy(
                    rows_v.at[b], out_hbm.at[seq0 + j - NBUF], sem_wb.at[b]
                ).wait()

            pltpu.async_copy(pos_sh, rows_v.at[b], sem_pre.at[b])

        for b in range(NBUF):
            j = g * NBUF + b
            pltpu.make_async_copy(pos_sh, rows_v.at[b], sem_pre.at[b]).wait()
            for h in range(NG):
                pltpu.async_copy(
                    tok_hbm.at[idx_all.at[pl.ds(j * SEQ + h * GI, GI)]],
                    rows_v.at[b, pl.ds(h * GI, GI)],
                    sem_g.at[b], add=True,
                )

        for b in range(NBUF):
            j = g * NBUF + b
            for h in range(NG):
                pltpu.make_async_copy(
                    tok_hbm.at[idx_all.at[pl.ds(j * SEQ + h * GI, GI)]],
                    rows_v.at[b, pl.ds(h * GI, GI)],
                    sem_g.at[b],
                ).wait()
            pltpu.async_copy(rows_v.at[b], out_hbm.at[seq0 + j], sem_wb.at[b])
        return carry

    lax.fori_loop(0, NGROUPS, group, 0)

    for b in range(NBUF):
        j = (NGROUPS - 1) * NBUF + b
        pltpu.make_async_copy(
            rows_v.at[b], out_hbm.at[seq0 + j], sem_wb.at[b]
        ).wait()


_BX = 16384


def _transpose_pad_body(tokT_ref, out_ref):
    blk = tokT_ref[...]
    out_ref[:, :D] = blk.T
    out_ref[:, D:] = jnp.zeros((_BX, DP - D), jnp.float32)


def _transpose_pad(tokT):
    v = tokT.shape[1]
    grid = (v + _BX - 1) // _BX
    return pl.pallas_call(
        _transpose_pad_body,
        grid=(grid,),
        in_specs=[pl.BlockSpec((D, _BX), lambda i: (0, i))],
        out_specs=pl.BlockSpec((_BX, DP), lambda i: (i, 0)),
        out_shape=jax.ShapeDtypeStruct((v, DP), jnp.float32),
    )(tokT)


@jax.jit
def kernel(x, token_emb, pos_emb):
    b, l = x.shape
    x_flat = x.astype(jnp.int32).reshape(b * l)
    tok_pad = _transpose_pad(token_emb.T)
    pos_pad = jnp.pad(pos_emb, ((0, 0), (0, DP - D)))
    mesh = plsc.VectorSubcoreMesh(core_axis_name="c", subcore_axis_name="s")
    k = pl.kernel(
        _emb_body,
        out_type=jax.ShapeDtypeStruct((b, l, DP), jnp.float32),
        mesh=mesh,
        scratch_types=[
            pltpu.VMEM((SEQS_PER_W * SEQ,), jnp.int32),
            pltpu.VMEM((NBUF, SEQ, DP), jnp.float32),
            pltpu.VMEM_SHARED((SEQ, DP), jnp.float32),
            pltpu.SemaphoreType.DMA((NBUF,)),
            pltpu.SemaphoreType.DMA((NBUF,)),
            pltpu.SemaphoreType.DMA((NBUF,)),
        ],
        compiler_params=pltpu.CompilerParams(use_tc_tiling_on_sc=False),
    )
    return k(x_flat, tok_pad, pos_pad)[:, :, :D]

# --- scband reference (transcript-rebuilt; emitter-appended) ---
"""Pipeline reference for scband-embedding-38053410243125 (READ-ONLY COPY).

The authoritative reference and input builder live on the scoring server;
editing this copy changes nothing except your own understanding.
"""

import jax, jax.numpy as jnp
import numpy as np

VOCAB = 1000000
EMB_DIM = 64
SEQ_LEN = 200
POS_DIM = 64
BATCH = 1024
L = 200


def setup_inputs(seed: int = 0) -> dict:
    key = jax.random.key(seed)
    k1, k2, k3 = jax.random.split(key, 3)
    x = jax.random.randint(k1, (BATCH, L), 0, VOCAB)
    token_emb = jax.random.normal(k2, (VOCAB, EMB_DIM), dtype=jnp.float32) * 0.02
    pos_emb = jax.random.normal(k3, (SEQ_LEN, POS_DIM), dtype=jnp.float32) * 0.02
    return {"x": x, "token_emb": token_emb, "pos_emb": pos_emb}


def reference(x, token_emb, pos_emb):
    # token embedding lookup (gather)
    out = jnp.take(token_emb, x, axis=0)  # [B, L, EMB_DIM]
    # positional embedding added to the first POS_DIM channels
    Lcur = x.shape[1]
    out = out.at[..., :POS_DIM].add(pos_emb[:Lcur])
    # dropout p=0.0 (eval / emb_dropout=0.0) -> identity
    return out

if __name__ == "__main__":
    import jax
    _d = setup_inputs()
    print(jax.jit(kernel)(*tuple(_d.values())))

</pallas_src>

<mosaic_0001>
#map = affine_map<(d0, d1) -> (0)>
#map1 = affine_map<(d0, d1) -> (0, 0)>
#map2 = affine_map<(d0, d1) -> (0, 0, 0)>
module attributes {stable_mosaic.version = 14 : i64} {
  func.func @_emb_body(%arg0: i32, %arg1: i32, %arg2: memref<204800xi32, #tpu.memory_space<hbm>>, %arg3: memref<1000000x128xf32, #tpu.memory_space<hbm>>, %arg4: memref<200x128xf32, #tpu.memory_space<hbm>>, %arg5: memref<1024x200x128xf32, #tpu.memory_space<hbm>>, %arg6: memref<6400xi32, #tpu.memory_space<vmem>>, %arg7: memref<4x200x128xf32, #tpu.memory_space<vmem>>, %arg8: memref<200x128xf32, #tpu.memory_space<vmem_shared>>, %arg9: memref<4x!tpu.dma_semaphore, #tpu.memory_space<semaphore_mem>>, %arg10: memref<4x!tpu.dma_semaphore, #tpu.memory_space<semaphore_mem>>, %arg11: memref<4x!tpu.dma_semaphore, #tpu.memory_space<semaphore_mem>>) attributes {dimension_semantics = [#tpu.dimension_semantics<core_parallel>, #tpu.dimension_semantics<subcore_parallel>], iteration_bounds = array<i64: 2, 16>, scalar_prefetch = 0 : i64, scratch_operands = 6 : i64, tpu.core_type = #tpu.core_type<sc_vector_subcore>, window_params = [{transform_indices = #map}, {transform_indices = #map1}, {transform_indices = #map1}, {transform_indices = #map2}]} {
    %mul3A = arith.constant 2 : i32
    %mul3A_0 = arith.muli %arg1, %mul3A : i32
    %add3A = arith.addi %mul3A_0, %arg0 : i32
    %eq3A = arith.constant 0 : i32
    %eq3A_1 = arith.cmpi eq, %arg1, %eq3A : i32
    %convert_element_type3A = arith.extui %eq3A_1 : i1 to i32
    %cond3A = arith.constant 0 : i32
    %cond3A_2 = arith.cmpi ne, %convert_element_type3A, %cond3A : i32
    scf.if %cond3A_2 {
      "tpu.region"() ({
        %run_scoped3A = tpu.sem_alloc : memref<!tpu.dma_semaphore, #tpu.memory_space<semaphore_mem>>
        tpu.enqueue_dma source(%arg4 : memref<200x128xf32, #tpu.memory_space<hbm>>) target(%arg8 : memref<200x128xf32, #tpu.memory_space<vmem_shared>>) target_semaphore(%run_scoped3A : memref<!tpu.dma_semaphore, #tpu.memory_space<semaphore_mem>>)
        tpu.wait_dma2 semaphore(%run_scoped3A : memref<!tpu.dma_semaphore, #tpu.memory_space<semaphore_mem>>) src(%arg4 : memref<200x128xf32, #tpu.memory_space<hbm>>) dst(%arg8 : memref<200x128xf32, #tpu.memory_space<vmem_shared>>)
        tpu.yield
      }) : () -> ()
    } else {
    }
    %barrier3A = arith.constant 0 : index
    tpu.barrier barrier_id(%barrier3A)
    %mul3A_3 = arith.constant 32 : i32
    %mul3A_4 = arith.muli %add3A, %mul3A_3 : i32
    %mul3A_5 = arith.constant 200 : i32
    %mul3A_6 = arith.muli %mul3A_4, %mul3A_5 : i32
    "tpu.region"() ({
      %run_scoped3A = tpu.sem_alloc : memref<!tpu.dma_semaphore, #tpu.memory_space<semaphore_mem>>
      %dma_start3A = tpu.memref_slice %arg2[%mul3A_6] : memref<204800xi32, #tpu.memory_space<hbm>> -> memref<6400xi32, #tpu.memory_space<hbm>>
      %dma_start3A_101 = tpu.memref_slice %arg2[%mul3A_6] : memref<204800xi32, #tpu.memory_space<hbm>> -> memref<6400xi32, #tpu.memory_space<hbm>>
      tpu.enqueue_dma source(%dma_start3A_101 : memref<6400xi32, #tpu.memory_space<hbm>>) target(%arg6 : memref<6400xi32, #tpu.memory_space<vmem>>) target_semaphore(%run_scoped3A : memref<!tpu.dma_semaphore, #tpu.memory_space<semaphore_mem>>)
      %dma_wait3A_102 = tpu.memref_slice %arg2[%mul3A_6] : memref<204800xi32, #tpu.memory_space<hbm>> -> memref<6400xi32, #tpu.memory_space<hbm>>
      %dma_wait3A_103 = tpu.memref_slice %arg2[%mul3A_6] : memref<204800xi32, #tpu.memory_space<hbm>> -> memref<6400xi32, #tpu.memory_space<hbm>>
      tpu.wait_dma2 semaphore(%run_scoped3A : memref<!tpu.dma_semaphore, #tpu.memory_space<semaphore_mem>>) src(%dma_wait3A_103 : memref<6400xi32, #tpu.memory_space<hbm>>) dst(%arg6 : memref<6400xi32, #tpu.memory_space<vmem>>)
      tpu.yield
    }) : () -> ()
    %mul3A_7 = arith.constant 32 : i32
    %mul3A_8 = arith.muli %add3A, %mul3A_7 : i32
    %scan3A = arith.constant 0 : i32
    %scan3A_9 = arith.constant 0 : i32
    %scan3A_10 = arith.constant 8 : i32
    %scan3A_11 = arith.addi %scan3A_9, %scan3A_10 : i32
    %scan3A_12 = arith.constant 1 : i32
    scf.for %scan3A_101 = %scan3A_9 to %scan3A_11 step %scan3A_12  : i32 {
      %mul3A_102 = arith.constant 4 : i32
      %mul3A_103 = arith.muli %scan3A_101, %mul3A_102 : i32
      %add3A_104 = arith.constant 0 : i32
      %add3A_105 = arith.addi %mul3A_103, %add3A_104 : i32
      %gt3A = arith.constant 0 : i32
      %gt3A_106 = arith.cmpi sgt, %scan3A_101, %gt3A : i32
      %convert_element_type3A_107 = arith.extui %gt3A_106 : i1 to i32
      %cond3A_108 = arith.constant 0 : i32
      %cond3A_109 = arith.cmpi ne, %convert_element_type3A_107, %cond3A_108 : i32
      scf.if %cond3A_109 {
        %add3A_988 = arith.addi %mul3A_8, %add3A_105 : i32
        %sub3A = arith.constant 4 : i32
        %sub3A_989 = arith.subi %add3A_988, %sub3A : i32
        %dma_wait3A_990 = arith.constant 0 : i32
        %dma_wait3A_991 = arith.constant 0 : i32
        %dma_wait3A_992 = arith.constant 0 : i32
        %dma_wait3A_993 = arith.constant 0 : i32
        %dma_wait3A_994 = tpu.memref_slice %arg7[%dma_wait3A_990, %dma_wait3A_992, %dma_wait3A_993] : memref<4x200x128xf32, #tpu.memory_space<vmem>> -> memref<1x200x128xf32, #tpu.memory_space<vmem>>
        %dma_wait3A_995 = tpu.memref_squeeze %dma_wait3A_994 : memref<1x200x128xf32, #tpu.memory_space<vmem>> -> memref<200x128xf32, #tpu.memory_space<vmem>>
        %dma_wait3A_996 = arith.constant 0 : i32
        %dma_wait3A_997 = arith.constant 0 : i32
        %dma_wait3A_998 = tpu.memref_slice %arg5[%sub3A_989, %dma_wait3A_996, %dma_wait3A_997] : memref<1024x200x128xf32, #tpu.memory_space<hbm>> -> memref<1x200x128xf32, #tpu.memory_space<hbm>>
        %dma_wait3A_999 = tpu.memref_squeeze %dma_wait3A_998 : memref<1x200x128xf32, #tpu.memory_space<hbm>> -> memref<200x128xf32, #tpu.memory_space<hbm>>
        %dma_wait3A_1000 = tpu.memref_slice %arg11[%dma_wait3A_991] : memref<4x!tpu.dma_semaphore, #tpu.memory_space<semaphore_mem>> -> memref<1x!tpu.dma_semaphore, #tpu.memory_space<semaphore_mem>>
        %dma_wait3A_1001 = tpu.memref_squeeze %dma_wait3A_1000 : memref<1x!tpu.dma_semaphore, #tpu.memory_space<semaphore_mem>> -> memref<!tpu.dma_semaphore, #tpu.memory_space<semaphore_mem>>
        %dma_wait3A_1002 = arith.constant 0 : i32
        %dma_wait3A_1003 = arith.constant 0 : i32
        %dma_wait3A_1004 = tpu.memref_slice %arg5[%sub3A_989, %dma_wait3A_1002, %dma_wait3A_1003] : memref<1024x200x128xf32, #tpu.memory_space<hbm>> -> memref<1x200x128xf32, #tpu.memory_space<hbm>>
        %dma_wait3A_1005 = tpu.memref_squeeze %dma_wait3A_1004 : memref<1x200x128xf32, #tpu.memory_space<hbm>> -> memref<200x128xf32, #tpu.memory_space<hbm>>
        %dma_wait3A_1006 = arith.constant 0 : i32
        %dma_wait3A_1007 = arith.constant 0 : i32
        %dma_wait3A_1008 = tpu.memref_slice %arg7[%dma_wait3A_990, %dma_wait3A_1006, %dma_wait3A_1007] : memref<4x200x128xf32, #tpu.memory_space<vmem>> -> memref<1x200x128xf32, #tpu.memory_space<vmem>>
        %dma_wait3A_1009 = tpu.memref_squeeze %dma_wait3A_1008 : memref<1x200x128xf32, #tpu.memory_space<vmem>> -> memref<200x128xf32, #tpu.memory_space<vmem>>
        tpu.wait_dma2 semaphore(%dma_wait3A_1001 : memref<!tpu.dma_semaphore, #tpu.memory_space<semaphore_mem>>) src(%dma_wait3A_1009 : memref<200x128xf32, #tpu.memory_space<vmem>>) dst(%dma_wait3A_1005 : memref<200x128xf32, #tpu.memory_space<hbm>>)
      } else {
      }
      %dma_start3A = arith.constant 0 : i32
      %dma_start3A_110 = arith.constant 0 : i32
      %dma_start3A_111 = arith.constant 0 : i32
      %dma_start3A_112 = arith.constant 0 : i32
      %dma_start3A_113 = tpu.memref_slice %arg7[%dma_start3A, %dma_start3A_111, %dma_start3A_112] : memref<4x200x128xf32, #tpu.memory_space<vmem>> -> memref<1x200x128xf32, #tpu.memory_space<vmem>>
      %dma_start3A_114 = tpu.memref_squeeze %dma_start3A_113 : memref<1x200x128xf32, #tpu.memory_space<vmem>> -> memref<200x128xf32, #tpu.memory_space<vmem>>
      %dma_start3A_115 = tpu.memref_slice %arg9[%dma_start3A_110] : memref<4x!tpu.dma_semaphore, #tpu.memory_space<semaphore_mem>> -> memref<1x!tpu.dma_semaphore, #tpu.memory_space<semaphore_mem>>
      %dma_start3A_116 = tpu.memref_squeeze %dma_start3A_115 : memref<1x!tpu.dma_semaphore, #tpu.memory_space<semaphore_mem>> -> memref<!tpu.dma_semaphore, #tpu.memory_space<semaphore_mem>>
      %dma_start3A_117 = arith.constant 0 : i32
      %dma_start3A_118 = arith.constant 0 : i32
      %dma_start3A_119 = tpu.memref_slice %arg7[%dma_start3A, %dma_start3A_117, %dma_start3A_118] : memref<4x200x128xf32, #tpu.memory_space<vmem>> -> memref<1x200x128xf32, #tpu.memory_space<vmem>>
      %dma_start3A_120 = tpu.memref_squeeze %dma_start3A_119 : memref<1x200x128xf32, #tpu.memory_space<vmem>> -> memref<200x128xf32, #tpu.memory_space<vmem>>
      tpu.enqueue_dma source(%arg8 : memref<200x128xf32, #tpu.memory_space<vmem_shared>>) target(%dma_start3A_120 : memref<200x128xf32, #tpu.memory_space<vmem>>) target_semaphore(%dma_start3A_116 : memref<!tpu.dma_semaphore, #tpu.memory_space<semaphore_mem>>)
      %mul3A_121 = arith.constant 4 : i32
      %mul3A_122 = arith.muli %scan3A_101, %mul3A_121 : i32
      %add3A_123 = arith.constant 1 : i32
      %add3A_124 = arith.addi %mul3A_122, %add3A_123 : i32
      %gt3A_125 = arith.constant 0 : i32
      %gt3A_126 = arith.cmpi sgt, %scan3A_101, %gt3A_125 : i32
      %convert_element_type3A_127 = arith.extui %gt3A_126 : i1 to i32
      %cond3A_128 = arith.constant 0 : i32
      %cond3A_129 = arith.cmpi ne, %convert_element_type3A_127, %cond3A_128 : i32
      scf.if %cond3A_129 {
        %add3A_988 = arith.addi %mul3A_8, %add3A_124 : i32
        %sub3A = arith.constant 4 : i32
        %sub3A_989 = arith.subi %add3A_988, %sub3A : i32
        %dma_wait3A_990 = arith.constant 1 : i32
        %dma_wait3A_991 = arith.constant 1 : i32
        %dma_wait3A_992 = arith.constant 0 : i32
        %dma_wait3A_993 = arith.constant 0 : i32
        %dma_wait3A_994 = tpu.memref_slice %arg7[%dma_wait3A_990, %dma_wait3A_992, %dma_wait3A_993] : memref<4x200x128xf32, #tpu.memory_space<vmem>> -> memref<1x200x128xf32, #tpu.memory_space<vmem>>
        %dma_wait3A_995 = tpu.memref_squeeze %dma_wait3A_994 : memref<1x200x128xf32, #tpu.memory_space<vmem>> -> memref<200x128xf32, #tpu.memory_space<vmem>>
        %dma_wait3A_996 = arith.constant 0 : i32
        %dma_wait3A_997 = arith.constant 0 : i32
        %dma_wait3A_998 = tpu.memref_slice %arg5[%sub3A_989, %dma_wait3A_996, %dma_wait3A_997] : memref<1024x200x128xf32, #tpu.memory_space<hbm>> -> memref<1x200x128xf32, #tpu.memory_space<hbm>>
        %dma_wait3A_999 = tpu.memref_squeeze %dma_wait3A_998 : memref<1x200x128xf32, #tpu.memory_space<hbm>> -> memref<200x128xf32, #tpu.memory_space<hbm>>
        %dma_wait3A_1000 = tpu.memref_slice %arg11[%dma_wait3A_991] : memref<4x!tpu.dma_semaphore, #tpu.memory_space<semaphore_mem>> -> memref<1x!tpu.dma_semaphore, #tpu.memory_space<semaphore_mem>>
        %dma_wait3A_1001 = tpu.memref_squeeze %dma_wait3A_1000 : memref<1x!tpu.dma_semaphore, #tpu.memory_space<semaphore_mem>> -> memref<!tpu.dma_semaphore, #tpu.memory_space<semaphore_mem>>
        %dma_wait3A_1002 = arith.constant 0 : i32
        %dma_wait3A_1003 = arith.constant 0 : i32
        %dma_wait3A_1004 = tpu.memref_slice %arg5[%sub3A_989, %dma_wait3A_1002, %dma_wait3A_1003] : memref<1024x200x128xf32, #tpu.memory_space<hbm>> -> memref<1x200x128xf32, #tpu.memory_space<hbm>>
        %dma_wait3A_1005 = tpu.memref_squeeze %dma_wait3A_1004 : memref<1x200x128xf32, #tpu.memory_space<hbm>> -> memref<200x128xf32, #tpu.memory_space<hbm>>
        %dma_wait3A_1006 = arith.constant 0 : i32
        %dma_wait3A_1007 = arith.constant 0 : i32
        %dma_wait3A_1008 = tpu.memref_slice %arg7[%dma_wait3A_990, %dma_wait3A_1006, %dma_wait3A_1007] : memref<4x200x128xf32, #tpu.memory_space<vmem>> -> memref<1x200x128xf32, #tpu.memory_space<vmem>>
        %dma_wait3A_1009 = tpu.memref_squeeze %dma_wait3A_1008 : memref<1x200x128xf32, #tpu.memory_space<vmem>> -> memref<200x128xf32, #tpu.memory_space<vmem>>
        tpu.wait_dma2 semaphore(%dma_wait3A_1001 : memref<!tpu.dma_semaphore, #tpu.memory_space<semaphore_mem>>) src(%dma_wait3A_1009 : memref<200x128xf32, #tpu.memory_space<vmem>>) dst(%dma_wait3A_1005 : memref<200x128xf32, #tpu.memory_space<hbm>>)
      } else {
      }
      %dma_start3A_130 = arith.constant 1 : i32
      %dma_start3A_131 = arith.constant 1 : i32
      %dma_start3A_132 = arith.constant 0 : i32
      %dma_start3A_133 = arith.constant 0 : i32
      %dma_start3A_134 = tpu.memref_slice %arg7[%dma_start3A_130, %dma_start3A_132, %dma_start3A_133] : memref<4x200x128xf32, #tpu.memory_space<vmem>> -> memref<1x200x128xf32, #tpu.memory_space<vmem>>
      %dma_start3A_135 = tpu.memref_squeeze %dma_start3A_134 : memref<1x200x128xf32, #tpu.memory_space<vmem>> -> memref<200x128xf32, #tpu.memory_space<vmem>>
      %dma_start3A_136 = tpu.memref_slice %arg9[%dma_start3A_131] : memref<4x!tpu.dma_semaphore, #tpu.memory_space<semaphore_mem>> -> memref<1x!tpu.dma_semaphore, #tpu.memory_space<semaphore_mem>>
      %dma_start3A_137 = tpu.memref_squeeze %dma_start3A_136 : memref<1x!tpu.dma_semaphore, #tpu.memory_space<semaphore_mem>> -> memref<!tpu.dma_semaphore, #tpu.memory_space<semaphore_mem>>
      %dma_start3A_138 = arith.constant 0 : i32
      %dma_start3A_139 = arith.constant 0 : i32
      %dma_start3A_140 = tpu.memref_slice %arg7[%dma_start3A_130, %dma_start3A_138, %dma_start3A_139] : memref<4x200x128xf32, #tpu.memory_space<vmem>> -> memref<1x200x128xf32, #tpu.memory_space<vmem>>
      %dma_start3A_141 = tpu.memref_squeeze %dma_start3A_140 : memref<1x200x128xf32, #tpu.memory_space<vmem>> -> memref<200x128xf32, #tpu.memory_space<vmem>>
      tpu.enqueue_dma source(%arg8 : memref<200x128xf32, #tpu.memory_space<vmem_shared>>) target(%dma_start3A_141 : memref<200x128xf32, #tpu.memory_space<vmem>>) target_semaphore(%dma_start3A_137 : memref<!tpu.dma_semaphore, #tpu.memory_space<semaphore_mem>>)
      %mul3A_142 = arith.constant 4 : i32
      %mul3A_143 = arith.muli %scan3A_101, %mul3A_142 : i32
      %add3A_144 = arith.constant 2 : i32
      %add3A_145 = arith.addi %mul3A_143, %add3A_144 : i32
      %gt3A_146 = arith.constant 0 : i32
      %gt3A_147 = arith.cmpi sgt, %scan3A_101, %gt3A_146 : i32
      %convert_element_type3A_148 = arith.extui %gt3A_147 : i1 to i32
      %cond3A_149 = arith.constant 0 : i32
      %cond3A_150 = arith.cmpi ne, %convert_element_type3A_148, %cond3A_149 : i32
      scf.if %cond3A_150 {
        %add3A_988 = arith.addi %mul3A_8, %add3A_145 : i32
        %sub3A = arith.constant 4 : i32
        %sub3A_989 = arith.subi %add3A_988, %sub3A : i32
        %dma_wait3A_990 = arith.constant 2 : i32
        %dma_wait3A_991 = arith.constant 2 : i32
        %dma_wait3A_992 = arith.constant 0 : i32
        %dma_wait3A_993 = arith.constant 0 : i32
        %dma_wait3A_994 = tpu.memref_slice %arg7[%dma_wait3A_990, %dma_wait3A_992, %dma_wait3A_993] : memref<4x200x128xf32, #tpu.memory_space<vmem>> -> memref<1x200x128xf32, #tpu.memory_space<vmem>>
        %dma_wait3A_995 = tpu.memref_squeeze %dma_wait3A_994 : memref<1x200x128xf32, #tpu.memory_space<vmem>> -> memref<200x128xf32, #tpu.memory_space<vmem>>
        %dma_wait3A_996 = arith.constant 0 : i32
        %dma_wait3A_997 = arith.constant 0 : i32
        %dma_wait3A_998 = tpu.memref_slice %arg5[%sub3A_989, %dma_wait3A_996, %dma_wait3A_997] : memref<1024x200x128xf32, #tpu.memory_space<hbm>> -> memref<1x200x128xf32, #tpu.memory_space<hbm>>
        %dma_wait3A_999 = tpu.memref_squeeze %dma_wait3A_998 : memref<1x200x128xf32, #tpu.memory_space<hbm>> -> memref<200x128xf32, #tpu.memory_space<hbm>>
        %dma_wait3A_1000 = tpu.memref_slice %arg11[%dma_wait3A_991] : memref<4x!tpu.dma_semaphore, #tpu.memory_space<semaphore_mem>> -> memref<1x!tpu.dma_semaphore, #tpu.memory_space<semaphore_mem>>
        %dma_wait3A_1001 = tpu.memref_squeeze %dma_wait3A_1000 : memref<1x!tpu.dma_semaphore, #tpu.memory_space<semaphore_mem>> -> memref<!tpu.dma_semaphore, #tpu.memory_space<semaphore_mem>>
        %dma_wait3A_1002 = arith.constant 0 : i32
        %dma_wait3A_1003 = arith.constant 0 : i32
        %dma_wait3A_1004 = tpu.memref_slice %arg5[%sub3A_989, %dma_wait3A_1002, %dma_wait3A_1003] : memref<1024x200x128xf32, #tpu.memory_space<hbm>> -> memref<1x200x128xf32, #tpu.memory_space<hbm>>
        %dma_wait3A_1005 = tpu.memref_squeeze %dma_wait3A_1004 : memref<1x200x128xf32, #tpu.memory_space<hbm>> -> memref<200x128xf32, #tpu.memory_space<hbm>>
        %dma_wait3A_1006 = arith.constant 0 : i32
        %dma_wait3A_1007 = arith.constant 0 : i32
        %dma_wait3A_1008 = tpu.memref_slice %arg7[%dma_wait3A_990, %dma_wait3A_1006, %dma_wait3A_1007] : memref<4x200x128xf32, #tpu.memory_space<vmem>> -> memref<1x200x128xf32, #tpu.memory_space<vmem>>
        %dma_wait3A_1009 = tpu.memref_squeeze %dma_wait3A_1008 : memref<1x200x128xf32, #tpu.memory_space<vmem>> -> memref<200x128xf32, #tpu.memory_space<vmem>>
        tpu.wait_dma2 semaphore(%dma_wait3A_1001 : memref<!tpu.dma_semaphore, #tpu.memory_space<semaphore_mem>>) src(%dma_wait3A_1009 : memref<200x128xf32, #tpu.memory_space<vmem>>) dst(%dma_wait3A_1005 : memref<200x128xf32, #tpu.memory_space<hbm>>)
      } else {
      }
      %dma_start3A_151 = arith.constant 2 : i32
      %dma_start3A_152 = arith.constant 2 : i32
      %dma_start3A_153 = arith.constant 0 : i32
      %dma_start3A_154 = arith.constant 0 : i32
      %dma_start3A_155 = tpu.memref_slice %arg7[%dma_start3A_151, %dma_start3A_153, %dma_start3A_154] : memref<4x200x128xf32, #tpu.memory_space<vmem>> -> memref<1x200x128xf32, #tpu.memory_space<vmem>>
      %dma_start3A_156 = tpu.memref_squeeze %dma_start3A_155 : memref<1x200x128xf32, #tpu.memory_space<vmem>> -> memref<200x128xf32, #tpu.memory_space<vmem>>
      %dma_start3A_157 = tpu.memref_slice %arg9[%dma_start3A_152] : memref<4x!tpu.dma_semaphore, #tpu.memory_space<semaphore_mem>> -> memref<1x!tpu.dma_semaphore, #tpu.memory_space<semaphore_mem>>
      %dma_start3A_158 = tpu.memref_squeeze %dma_start3A_157 : memref<1x!tpu.dma_semaphore, #tpu.memory_space<semaphore_mem>> -> memref<!tpu.dma_semaphore, #tpu.memory_space<semaphore_mem>>
      %dma_start3A_159 = arith.constant 0 : i32
      %dma_start3A_160 = arith.constant 0 : i32
      %dma_start3A_161 = tpu.memref_slice %arg7[%dma_start3A_151, %dma_start3A_159, %dma_start3A_160] : memref<4x200x128xf32, #tpu.memory_space<vmem>> -> memref<1x200x128xf32, #tpu.memory_space<vmem>>
      %dma_start3A_162 = tpu.memref_squeeze %dma_start3A_161 : memref<1x200x128xf32, #tpu.memory_space<vmem>> -> memref<200x128xf32, #tpu.memory_space<vmem>>
      tpu.enqueue_dma source(%arg8 : memref<200x128xf32, #tpu.memory_space<vmem_shared>>) target(%dma_start3A_162 : memref<200x128xf32, #tpu.memory_space<vmem>>) target_semaphore(%dma_start3A_158 : memref<!tpu.dma_semaphore, #tpu.memory_space<semaphore_mem>>)
      %mul3A_163 = arith.constant 4 : i32
      %mul3A_164 = arith.muli %scan3A_101, %mul3A_163 : i32
      %add3A_165 = arith.constant 3 : i32
      %add3A_166 = arith.addi %mul3A_164, %add3A_165 : i32
      %gt3A_167 = arith.constant 0 : i32
      %gt3A_168 = arith.cmpi sgt, %scan3A_101, %gt3A_167 : i32
      %convert_element_type3A_169 = arith.extui %gt3A_168 : i1 to i32
      %cond3A_170 = arith.constant 0 : i32
      %cond3A_171 = arith.cmpi ne, %convert_element_type3A_169, %cond3A_170 : i32
      scf.if %cond3A_171 {
        %add3A_988 = arith.addi %mul3A_8, %add3A_166 : i32
        %sub3A = arith.constant 4 : i32
        %sub3A_989 = arith.subi %add3A_988, %sub3A : i32
        %dma_wait3A_990 = arith.constant 3 : i32
        %dma_wait3A_991 = arith.constant 3 : i32
        %dma_wait3A_992 = arith.constant 0 : i32
        %dma_wait3A_993 = arith.constant 0 : i32
        %dma_wait3A_994 = tpu.memref_slice %arg7[%dma_wait3A_990, %dma_wait3A_992, %dma_wait3A_993] : memref<4x200x128xf32, #tpu.memory_space<vmem>> -> memref<1x200x128xf32, #tpu.memory_space<vmem>>
        %dma_wait3A_995 = tpu.memref_squeeze %dma_wait3A_994 : memref<1x200x128xf32, #tpu.memory_space<vmem>> -> memref<200x128xf32, #tpu.memory_space<vmem>>
        %dma_wait3A_996 = arith.constant 0 : i32
        %dma_wait3A_997 = arith.constant 0 : i32
        %dma_wait3A_998 = tpu.memref_slice %arg5[%sub3A_989, %dma_wait3A_996, %dma_wait3A_997] : memref<1024x200x128xf32, #tpu.memory_space<hbm>> -> memref<1x200x128xf32, #tpu.memory_space<hbm>>
        %dma_wait3A_999 = tpu.memref_squeeze %dma_wait3A_998 : memref<1x200x128xf32, #tpu.memory_space<hbm>> -> memref<200x128xf32, #tpu.memory_space<hbm>>
        %dma_wait3A_1000 = tpu.memref_slice %arg11[%dma_wait3A_991] : memref<4x!tpu.dma_semaphore, #tpu.memory_space<semaphore_mem>> -> memref<1x!tpu.dma_semaphore, #tpu.memory_space<semaphore_mem>>
        %dma_wait3A_1001 = tpu.memref_squeeze %dma_wait3A_1000 : memref<1x!tpu.dma_semaphore, #tpu.memory_space<semaphore_mem>> -> memref<!tpu.dma_semaphore, #tpu.memory_space<semaphore_mem>>
        %dma_wait3A_1002 = arith.constant 0 : i32
        %dma_wait3A_1003 = arith.constant 0 : i32
        %dma_wait3A_1004 = tpu.memref_slice %arg5[%sub3A_989, %dma_wait3A_1002, %dma_wait3A_1003] : memref<1024x200x128xf32, #tpu.memory_space<hbm>> -> memref<1x200x128xf32, #tpu.memory_space<hbm>>
        %dma_wait3A_1005 = tpu.memref_squeeze %dma_wait3A_1004 : memref<1x200x128xf32, #tpu.memory_space<hbm>> -> memref<200x128xf32, #tpu.memory_space<hbm>>
        %dma_wait3A_1006 = arith.constant 0 : i32
        %dma_wait3A_1007 = arith.constant 0 : i32
        %dma_wait3A_1008 = tpu.memref_slice %arg7[%dma_wait3A_990, %dma_wait3A_1006, %dma_wait3A_1007] : memref<4x200x128xf32, #tpu.memory_space<vmem>> -> memref<1x200x128xf32, #tpu.memory_space<vmem>>
        %dma_wait3A_1009 = tpu.memref_squeeze %dma_wait3A_1008 : memref<1x200x128xf32, #tpu.memory_space<vmem>> -> memref<200x128xf32, #tpu.memory_space<vmem>>
        tpu.wait_dma2 semaphore(%dma_wait3A_1001 : memref<!tpu.dma_semaphore, #tpu.memory_space<semaphore_mem>>) src(%dma_wait3A_1009 : memref<200x128xf32, #tpu.memory_space<vmem>>) dst(%dma_wait3A_1005 : memref<200x128xf32, #tpu.memory_space<hbm>>)
      } else {
      }
      %dma_start3A_172 = arith.constant 3 : i32
      %dma_start3A_173 = arith.constant 3 : i32
      %dma_start3A_174 = arith.constant 0 : i32
      %dma_start3A_175 = arith.constant 0 : i32
      %dma_start3A_176 = tpu.memref_slice %arg7[%dma_start3A_172, %dma_start3A_174, %dma_start3A_175] : memref<4x200x128xf32, #tpu.memory_space<vmem>> -> memref<1x200x128xf32, #tpu.memory_space<vmem>>
      %dma_start3A_177 = tpu.memref_squeeze %dma_start3A_176 : memref<1x200x128xf32, #tpu.memory_space<vmem>> -> memref<200x128xf32, #tpu.memory_space<vmem>>
      %dma_start3A_178 = tpu.memref_slice %arg9[%dma_start3A_173] : memref<4x!tpu.dma_semaphore, #tpu.memory_space<semaphore_mem>> -> memref<1x!tpu.dma_semaphore, #tpu.memory_space<semaphore_mem>>
      %dma_start3A_179 = tpu.memref_squeeze %dma_start3A_178 : memref<1x!tpu.dma_semaphore, #tpu.memory_space<semaphore_mem>> -> memref<!tpu.dma_semaphore, #tpu.memory_space<semaphore_mem>>
      %dma_start3A_180 = arith.constant 0 : i32
      %dma_start3A_181 = arith.constant 0 : i32
      %dma_start3A_182 = tpu.memref_slice %arg7[%dma_start3A_172, %dma_start3A_180, %dma_start3A_181] : memref<4x200x128xf32, #tpu.memory_space<vmem>> -> memref<1x200x128xf32, #tpu.memory_space<vmem>>
      %dma_start3A_183 = tpu.memref_squeeze %dma_start3A_182 : memref<1x200x128xf32, #tpu.memory_space<vmem>> -> memref<200x128xf32, #tpu.memory_space<vmem>>
      tpu.enqueue_dma source(%arg8 : memref<200x128xf32, #tpu.memory_space<vmem_shared>>) target(%dma_start3A_183 : memref<200x128xf32, #tpu.memory_space<vmem>>) target_semaphore(%dma_start3A_179 : memref<!tpu.dma_semaphore, #tpu.memory_space<semaphore_mem>>)
      %mul3A_184 = arith.constant 4 : i32
      %mul3A_185 = arith.muli %scan3A_101, %mul3A_184 : i32
      %add3A_186 = arith.constant 0 : i32
      %add3A_187 = arith.addi %mul3A_185, %add3A_186 : i32
      %dma_wait3A_188 = arith.constant 0 : i32
      %dma_wait3A_189 = arith.constant 0 : i32
      %dma_wait3A_190 = arith.constant 0 : i32
      %dma_wait3A_191 = arith.constant 0 : i32
      %dma_wait3A_192 = tpu.memref_slice %arg7[%dma_wait3A_188, %dma_wait3A_190, %dma_wait3A_191] : memref<4x200x128xf32, #tpu.memory_space<vmem>> -> memref<1x200x128xf32, #tpu.memory_space<vmem>>
      %dma_wait3A_193 = tpu.memref_squeeze %dma_wait3A_192 : memref<1x200x128xf32, #tpu.memory_space<vmem>> -> memref<200x128xf32, #tpu.memory_space<vmem>>
      %dma_wait3A_194 = tpu.memref_slice %arg9[%dma_wait3A_189] : memref<4x!tpu.dma_semaphore, #tpu.memory_space<semaphore_mem>> -> memref<1x!tpu.dma_semaphore, #tpu.memory_space<semaphore_mem>>
      %dma_wait3A_195 = tpu.memref_squeeze %dma_wait3A_194 : memref<1x!tpu.dma_semaphore, #tpu.memory_space<semaphore_mem>> -> memref<!tpu.dma_semaphore, #tpu.memory_space<semaphore_mem>>
      %dma_wait3A_196 = arith.constant 0 : i32
      %dma_wait3A_197 = arith.constant 0 : i32
      %dma_wait3A_198 = tpu.memref_slice %arg7[%dma_wait3A_188, %dma_wait3A_196, %dma_wait3A_197] : memref<4x200x128xf32, #tpu.memory_space<vmem>> -> memref<1x200x128xf32, #tpu.memory_space<vmem>>
      %dma_wait3A_199 = tpu.memref_squeeze %dma_wait3A_198 : memref<1x200x128xf32, #tpu.memory_space<vmem>> -> memref<200x128xf32, #tpu.memory_space<vmem>>
      tpu.wait_dma2 semaphore(%dma_wait3A_195 : memref<!tpu.dma_semaphore, #tpu.memory_space<semaphore_mem>>) src(%arg8 : memref<200x128xf32, #tpu.memory_space<vmem_shared>>) dst(%dma_wait3A_199 : memref<200x128xf32, #tpu.memory_space<vmem>>)
      %mul3A_200 = arith.constant 200 : i32
      %mul3A_201 = arith.muli %add3A_187, %mul3A_200 : i32
      %add3A_202 = arith.constant 0 : i32
      %add3A_203 = arith.addi %mul3A_201, %add3A_202 : i32
      %dma_start3A_204 = arith.constant 0 : i32
      %dma_start3A_205 = arith.constant 0 : i32
      %dma_start3A_206 = arith.constant 0 : i32
      %dma_start3A_207 = arith.constant 0 : i32
      %dma_start3A_208 = tpu.memref_slice %arg7[%dma_start3A_204, %dma_start3A_206, %dma_start3A_207] : memref<4x200x128xf32, #tpu.memory_space<vmem>> -> memref<1x40x128xf32, #tpu.memory_space<vmem>>
      %dma_start3A_209 = tpu.memref_squeeze %dma_start3A_208 : memref<1x40x128xf32, #tpu.memory_space<vmem>> -> memref<40x128xf32, #tpu.memory_space<vmem>>
      %dma_start3A_210 = tpu.memref_slice %arg6[%add3A_203] : memref<6400xi32, #tpu.memory_space<vmem>> -> memref<40xi32, #tpu.memory_space<vmem>>
      %dma_start3A_211 = arith.constant 0 : i32
      %dma_start3A_212 = arith.constant 0 : i32
      %dma_start3A_213 = tpu.memref_slice %arg3[%dma_start3A_211, %dma_start3A_212] : memref<1000000x128xf32, #tpu.memory_space<hbm>> -> memref<1000000x128xf32, #tpu.memory_space<hbm>>
      %dma_start3A_214 = tpu.memref_slice %arg10[%dma_start3A_205] : memref<4x!tpu.dma_semaphore, #tpu.memory_space<semaphore_mem>> -> memref<1x!tpu.dma_semaphore, #tpu.memory_space<semaphore_mem>>
      %dma_start3A_215 = tpu.memref_squeeze %dma_start3A_214 : memref<1x!tpu.dma_semaphore, #tpu.memory_space<semaphore_mem>> -> memref<!tpu.dma_semaphore, #tpu.memory_space<semaphore_mem>>
      tpu.enqueue_indirect_dma source(%dma_start3A_213 : memref<1000000x128xf32, #tpu.memory_space<hbm>>) target(%dma_start3A_209 : memref<40x128xf32, #tpu.memory_space<vmem>>) offsets(%dma_start3A_210 : memref<40xi32, #tpu.memory_space<vmem>>) semaphore(%dma_start3A_215 : memref<!tpu.dma_semaphore, #tpu.memory_space<semaphore_mem>>) {add = true}
      %mul3A_216 = arith.constant 200 : i32
      %mul3A_217 = arith.muli %add3A_187, %mul3A_216 : i32
      %add3A_218 = arith.constant 40 : i32
      %add3A_219 = arith.addi %mul3A_217, %add3A_218 : i32
      %dma_start3A_220 = arith.constant 0 : i32
      %dma_start3A_221 = arith.constant 0 : i32
      %dma_start3A_222 = arith.constant 40 : i32
      %dma_start3A_223 = arith.constant 0 : i32
      %dma_start3A_224 = tpu.memref_slice %arg7[%dma_start3A_220, %dma_start3A_222, %dma_start3A_223] : memref<4x200x128xf32, #tpu.memory_space<vmem>> -> memref<1x40x128xf32, #tpu.memory_space<vmem>>
      %dma_start3A_225 = tpu.memref_squeeze %dma_start3A_224 : memref<1x40x128xf32, #tpu.memory_space<vmem>> -> memref<40x128xf32, #tpu.memory_space<vmem>>
      %dma_start3A_226 = tpu.memref_slice %arg6[%add3A_219] : memref<6400xi32, #tpu.memory_space<vmem>> -> memref<40xi32, #tpu.memory_space<vmem>>
      %dma_start3A_227 = arith.constant 0 : i32
      %dma_start3A_228 = arith.constant 0 : i32
      %dma_start3A_229 = tpu.memref_slice %arg3[%dma_start3A_227, %dma_start3A_228] : memref<1000000x128xf32, #tpu.memory_space<hbm>> -> memref<1000000x128xf32, #tpu.memory_space<hbm>>
      %dma_start3A_230 = tpu.memref_slice %arg10[%dma_start3A_221] : memref<4x!tpu.dma_semaphore, #tpu.memory_space<semaphore_mem>> -> memref<1x!tpu.dma_semaphore, #tpu.memory_space<semaphore_mem>>
      %dma_start3A_231 = tpu.memref_squeeze %dma_start3A_230 : memref<1x!tpu.dma_semaphore, #tpu.memory_space<semaphore_mem>> -> memref<!tpu.dma_semaphore, #tpu.memory_space<semaphore_mem>>
      tpu.enqueue_indirect_dma source(%dma_start3A_229 : memref<1000000x128xf32, #tpu.memory_space<hbm>>) target(%dma_start3A_225 : memref<40x128xf32, #tpu.memory_space<vmem>>) offsets(%dma_start3A_226 : memref<40xi32, #tpu.memory_space<vmem>>) semaphore(%dma_start3A_231 : memref<!tpu.dma_semaphore, #tpu.memory_space<semaphore_mem>>) {add = true}
      %mul3A_232 = arith.constant 200 : i32
      %mul3A_233 = arith.muli %add3A_187, %mul3A_232 : i32
      %add3A_234 = arith.constant 80 : i32
      %add3A_235 = arith.addi %mul3A_233, %add3A_234 : i32
      %dma_start3A_236 = arith.constant 0 : i32
      %dma_start3A_237 = arith.constant 0 : i32
      %dma_start3A_238 = arith.constant 80 : i32
      %dma_start3A_239 = arith.constant 0 : i32
      %dma_start3A_240 = tpu.memref_slice %arg7[%dma_start3A_236, %dma_start3A_238, %dma_start3A_239] : memref<4x200x128xf32, #tpu.memory_space<vmem>> -> memref<1x40x128xf32, #tpu.memory_space<vmem>>
      %dma_start3A_241 = tpu.memref_squeeze %dma_start3A_240 : memref<1x40x128xf32, #tpu.memory_space<vmem>> -> memref<40x128xf32, #tpu.memory_space<vmem>>
      %dma_start3A_242 = tpu.memref_slice %arg6[%add3A_235] : memref<6400xi32, #tpu.memory_space<vmem>> -> memref<40xi32, #tpu.memory_space<vmem>>
      %dma_start3A_243 = arith.constant 0 : i32
      %dma_start3A_244 = arith.constant 0 : i32
      %dma_start3A_245 = tpu.memref_slice %arg3[%dma_start3A_243, %dma_start3A_244] : memref<1000000x128xf32, #tpu.memory_space<hbm>> -> memref<1000000x128xf32, #tpu.memory_space<hbm>>
      %dma_start3A_246 = tpu.memref_slice %arg10[%dma_start3A_237] : memref<4x!tpu.dma_semaphore, #tpu.memory_space<semaphore_mem>> -> memref<1x!tpu.dma_semaphore, #tpu.memory_space<semaphore_mem>>
      %dma_start3A_247 = tpu.memref_squeeze %dma_start3A_246 : memref<1x!tpu.dma_semaphore, #tpu.memory_space<semaphore_mem>> -> memref<!tpu.dma_semaphore, #tpu.memory_space<semaphore_mem>>
      tpu.enqueue_indirect_dma source(%dma_start3A_245 : memref<1000000x128xf32, #tpu.memory_space<hbm>>) target(%dma_start3A_241 : memref<40x128xf32, #tpu.memory_space<vmem>>) offsets(%dma_start3A_242 : memref<40xi32, #tpu.memory_space<vmem>>) semaphore(%dma_start3A_247 : memref<!tpu.dma_semaphore, #tpu.memory_space<semaphore_mem>>) {add = true}
      %mul3A_248 = arith.constant 200 : i32
      %mul3A_249 = arith.muli %add3A_187, %mul3A_248 : i32
      %add3A_250 = arith.constant 120 : i32
      %add3A_251 = arith.addi %mul3A_249, %add3A_250 : i32
      %dma_start3A_252 = arith.constant 0 : i32
      %dma_start3A_253 = arith.constant 0 : i32
      %dma_start3A_254 = arith.constant 120 : i32
      %dma_start3A_255 = arith.constant 0 : i32
      %dma_start3A_256 = tpu.memref_slice %arg7[%dma_start3A_252, %dma_start3A_254, %dma_start3A_255] : memref<4x200x128xf32, #tpu.memory_space<vmem>> -> memref<1x40x128xf32, #tpu.memory_space<vmem>>
      %dma_start3A_257 = tpu.memref_squeeze %dma_start3A_256 : memref<1x40x128xf32, #tpu.memory_space<vmem>> -> memref<40x128xf32, #tpu.memory_space<vmem>>
      %dma_start3A_258 = tpu.memref_slice %arg6[%add3A_251] : memref<6400xi32, #tpu.memory_space<vmem>> -> memref<40xi32, #tpu.memory_space<vmem>>
      %dma_start3A_259 = arith.constant 0 : i32
      %dma_start3A_260 = arith.constant 0 : i32
      %dma_start3A_261 = tpu.memref_slice %arg3[%dma_start3A_259, %dma_start3A_260] : memref<1000000x128xf32, #tpu.memory_space<hbm>> -> memref<1000000x128xf32, #tpu.memory_space<hbm>>
      %dma_start3A_262 = tpu.memref_slice %arg10[%dma_start3A_253] : memref<4x!tpu.dma_semaphore, #tpu.memory_space<semaphore_mem>> -> memref<1x!tpu.dma_semaphore, #tpu.memory_space<semaphore_mem>>
      %dma_start3A_263 = tpu.memref_squeeze %dma_start3A_262 : memref<1x!tpu.dma_semaphore, #tpu.memory_space<semaphore_mem>> -> memref<!tpu.dma_semaphore, #tpu.memory_space<semaphore_mem>>
      tpu.enqueue_indirect_dma source(%dma_start3A_261 : memref<1000000x128xf32, #tpu.memory_space<hbm>>) target(%dma_start3A_257 : memref<40x128xf32, #tpu.memory_space<vmem>>) offsets(%dma_start3A_258 : memref<40xi32, #tpu.memory_space<vmem>>) semaphore(%dma_start3A_263 : memref<!tpu.dma_semaphore, #tpu.memory_space<semaphore_mem>>) {add = true}
      %mul3A_264 = arith.constant 200 : i32
      %mul3A_265 = arith.muli %add3A_187, %mul3A_264 : i32
      %add3A_266 = arith.constant 160 : i32
      %add3A_267 = arith.addi %mul3A_265, %add3A_266 : i32
      %dma_start3A_268 = arith.constant 0 : i32
      %dma_start3A_269 = arith.constant 0 : i32
      %dma_start3A_270 = arith.constant 160 : i32
      %dma_start3A_271 = arith.constant 0 : i32
      %dma_start3A_272 = tpu.memref_slice %arg7[%dma_start3A_268, %dma_start3A_270, %dma_start3A_271] : memref<4x200x128xf32, #tpu.memory_space<vmem>> -> memref<1x40x128xf32, #tpu.memory_space<vmem>>
      %dma_start3A_273 = tpu.memref_squeeze %dma_start3A_272 : memref<1x40x128xf32, #tpu.memory_space<vmem>> -> memref<40x128xf32, #tpu.memory_space<vmem>>
      %dma_start3A_274 = tpu.memref_slice %arg6[%add3A_267] : memref<6400xi32, #tpu.memory_space<vmem>> -> memref<40xi32, #tpu.memory_space<vmem>>
      %dma_start3A_275 = arith.constant 0 : i32
      %dma_start3A_276 = arith.constant 0 : i32
      %dma_start3A_277 = tpu.memref_slice %arg3[%dma_start3A_275, %dma_start3A_276] : memref<1000000x128xf32, #tpu.memory_space<hbm>> -> memref<1000000x128xf32, #tpu.memory_space<hbm>>
      %dma_start3A_278 = tpu.memref_slice %arg10[%dma_start3A_269] : memref<4x!tpu.dma_semaphore, #tpu.memory_space<semaphore_mem>> -> memref<1x!tpu.dma_semaphore, #tpu.memory_space<semaphore_mem>>
      %dma_start3A_279 = tpu.memref_squeeze %dma_start3A_278 : memref<1x!tpu.dma_semaphore, #tpu.memory_space<semaphore_mem>> -> memref<!tpu.dma_semaphore, #tpu.memory_space<semaphore_mem>>
      tpu.enqueue_indirect_dma source(%dma_start3A_277 : memref<1000000x128xf32, #tpu.memory_space<hbm>>) target(%dma_start3A_273 : memref<40x128xf32, #tpu.memory_space<vmem>>) offsets(%dma_start3A_274 : memref<40xi32, #tpu.memory_space<vmem>>) semaphore(%dma_start3A_279 : memref<!tpu.dma_semaphore, #tpu.memory_space<semaphore_mem>>) {add = true}
      %mul3A_280 = arith.constant 4 : i32
      %mul3A_281 = arith.muli %scan3A_101, %mul3A_280 : i32
      %add3A_282 = arith.constant 1 : i32
      %add3A_283 = arith.addi %mul3A_281, %add3A_282 : i32
      %dma_wait3A_284 = arith.constant 1 : i32
      %dma_wait3A_285 = arith.constant 1 : i32
      %dma_wait3A_286 = arith.constant 0 : i32
      %dma_wait3A_287 = arith.constant 0 : i32
      %dma_wait3A_288 = tpu.memref_slice %arg7[%dma_wait3A_284, %dma_wait3A_286, %dma_wait3A_287] : memref<4x200x128xf32, #tpu.memory_space<vmem>> -> memref<1x200x128xf32, #tpu.memory_space<vmem>>
      %dma_wait3A_289 = tpu.memref_squeeze %dma_wait3A_288 : memref<1x200x128xf32, #tpu.memory_space<vmem>> -> memref<200x128xf32, #tpu.memory_space<vmem>>
      %dma_wait3A_290 = tpu.memref_slice %arg9[%dma_wait3A_285] : memref<4x!tpu.dma_semaphore, #tpu.memory_space<semaphore_mem>> -> memref<1x!tpu.dma_semaphore, #tpu.memory_space<semaphore_mem>>
      %dma_wait3A_291 = tpu.memref_squeeze %dma_wait3A_290 : memref<1x!tpu.dma_semaphore, #tpu.memory_space<semaphore_mem>> -> memref<!tpu.dma_semaphore, #tpu.memory_space<semaphore_mem>>
      %dma_wait3A_292 = arith.constant 0 : i32
      %dma_wait3A_293 = arith.constant 0 : i32
      %dma_wait3A_294 = tpu.memref_slice %arg7[%dma_wait3A_284, %dma_wait3A_292, %dma_wait3A_293] : memref<4x200x128xf32, #tpu.memory_space<vmem>> -> memref<1x200x128xf32, #tpu.memory_space<vmem>>
      %dma_wait3A_295 = tpu.memref_squeeze %dma_wait3A_294 : memref<1x200x128xf32, #tpu.memory_space<vmem>> -> memref<200x128xf32, #tpu.memory_space<vmem>>
      tpu.wait_dma2 semaphore(%dma_wait3A_291 : memref<!tpu.dma_semaphore, #tpu.memory_space<semaphore_mem>>) src(%arg8 : memref<200x128xf32, #tpu.memory_space<vmem_shared>>) dst(%dma_wait3A_295 : memref<200x128xf32, #tpu.memory_space<vmem>>)
      %mul3A_296 = arith.constant 200 : i32
      %mul3A_297 = arith.muli %add3A_283, %mul3A_296 : i32
      %add3A_298 = arith.constant 0 : i32
      %add3A_299 = arith.addi %mul3A_297, %add3A_298 : i32
      %dma_start3A_300 = arith.constant 1 : i32
      %dma_start3A_301 = arith.constant 1 : i32
      %dma_start3A_302 = arith.constant 0 : i32
      %dma_start3A_303 = arith.constant 0 : i32
      %dma_start3A_304 = tpu.memref_slice %arg7[%dma_start3A_300, %dma_start3A_302, %dma_start3A_303] : memref<4x200x128xf32, #tpu.memory_space<vmem>> -> memref<1x40x128xf32, #tpu.memory_space<vmem>>
      %dma_start3A_305 = tpu.memref_squeeze %dma_start3A_304 : memref<1x40x128xf32, #tpu.memory_space<vmem>> -> memref<40x128xf32, #tpu.memory_space<vmem>>
      %dma_start3A_306 = tpu.memref_slice %arg6[%add3A_299] : memref<6400xi32, #tpu.memory_space<vmem>> -> memref<40xi32, #tpu.memory_space<vmem>>
      %dma_start3A_307 = arith.constant 0 : i32
      %dma_start3A_308 = arith.constant 0 : i32
      %dma_start3A_309 = tpu.memref_slice %arg3[%dma_start3A_307, %dma_start3A_308] : memref<1000000x128xf32, #tpu.memory_space<hbm>> -> memref<1000000x128xf32, #tpu.memory_space<hbm>>
      %dma_start3A_310 = tpu.memref_slice %arg10[%dma_start3A_301] : memref<4x!tpu.dma_semaphore, #tpu.memory_space<semaphore_mem>> -> memref<1x!tpu.dma_semaphore, #tpu.memory_space<semaphore_mem>>
      %dma_start3A_311 = tpu.memref_squeeze %dma_start3A_310 : memref<1x!tpu.dma_semaphore, #tpu.memory_space<semaphore_mem>> -> memref<!tpu.dma_semaphore, #tpu.memory_space<semaphore_mem>>
      tpu.enqueue_indirect_dma source(%dma_start3A_309 : memref<1000000x128xf32, #tpu.memory_space<hbm>>) target(%dma_start3A_305 : memref<40x128xf32, #tpu.memory_space<vmem>>) offsets(%dma_start3A_306 : memref<40xi32, #tpu.memory_space<vmem>>) semaphore(%dma_start3A_311 : memref<!tpu.dma_semaphore, #tpu.memory_space<semaphore_mem>>) {add = true}
      %mul3A_312 = arith.constant 200 : i32
      %mul3A_313 = arith.muli %add3A_283, %mul3A_312 : i32
      %add3A_314 = arith.constant 40 : i32
      %add3A_315 = arith.addi %mul3A_313, %add3A_314 : i32
      %dma_start3A_316 = arith.constant 1 : i32
      %dma_start3A_317 = arith.constant 1 : i32
      %dma_start3A_318 = arith.constant 40 : i32
      %dma_start3A_319 = arith.constant 0 : i32
      %dma_start3A_320 = tpu.memref_slice %arg7[%dma_start3A_316, %dma_start3A_318, %dma_start3A_319] : memref<4x200x128xf32, #tpu.memory_space<vmem>> -> memref<1x40x128xf32, #tpu.memory_space<vmem>>
      %dma_start3A_321 = tpu.memref_squeeze %dma_start3A_320 : memref<1x40x128xf32, #tpu.memory_space<vmem>> -> memref<40x128xf32, #tpu.memory_space<vmem>>
      %dma_start3A_322 = tpu.memref_slice %arg6[%add3A_315] : memref<6400xi32, #tpu.memory_space<vmem>> -> memref<40xi32, #tpu.memory_space<vmem>>
      %dma_start3A_323 = arith.constant 0 : i32
      %dma_start3A_324 = arith.constant 0 : i32
      %dma_start3A_325 = tpu.memref_slice %arg3[%dma_start3A_323, %dma_start3A_324] : memref<1000000x128xf32, #tpu.memory_space<hbm>> -> memref<1000000x128xf32, #tpu.memory_space<hbm>>
      %dma_start3A_326 = tpu.memref_slice %arg10[%dma_start3A_317] : memref<4x!tpu.dma_semaphore, #tpu.memory_space<semaphore_mem>> -> memref<1x!tpu.dma_semaphore, #tpu.memory_space<semaphore_mem>>
      %dma_start3A_327 = tpu.memref_squeeze %dma_start3A_326 : memref<1x!tpu.dma_semaphore, #tpu.memory_space<semaphore_mem>> -> memref<!tpu.dma_semaphore, #tpu.memory_space<semaphore_mem>>
      tpu.enqueue_indirect_dma source(%dma_start3A_325 : memref<1000000x128xf32, #tpu.memory_space<hbm>>) target(%dma_start3A_321 : memref<40x128xf32, #tpu.memory_space<vmem>>) offsets(%dma_start3A_322 : memref<40xi32, #tpu.memory_space<vmem>>) semaphore(%dma_start3A_327 : memref<!tpu.dma_semaphore, #tpu.memory_space<semaphore_mem>>) {add = true}
      %mul3A_328 = arith.constant 200 : i32
      %mul3A_329 = arith.muli %add3A_283, %mul3A_328 : i32
      %add3A_330 = arith.constant 80 : i32
      %add3A_331 = arith.addi %mul3A_329, %add3A_330 : i32
      %dma_start3A_332 = arith.constant 1 : i32
      %dma_start3A_333 = arith.constant 1 : i32
      %dma_start3A_334 = arith.constant 80 : i32
      %dma_start3A_335 = arith.constant 0 : i32
      %dma_start3A_336 = tpu.memref_slice %arg7[%dma_start3A_332, %dma_start3A_334, %dma_start3A_335] : memref<4x200x128xf32, #tpu.memory_space<vmem>> -> memref<1x40x128xf32, #tpu.memory_space<vmem>>
      %dma_start3A_337 = tpu.memref_squeeze %dma_start3A_336 : memref<1x40x128xf32, #tpu.memory_space<vmem>> -> memref<40x128xf32, #tpu.memory_space<vmem>>
      %dma_start3A_338 = tpu.memref_slice %arg6[%add3A_331] : memref<6400xi32, #tpu.memory_space<vmem>> -> memref<40xi32, #tpu.memory_space<vmem>>
      %dma_start3A_339 = arith.constant 0 : i32
      %dma_start3A_340 = arith.constant 0 : i32
      %dma_start3A_341 = tpu.memref_slice %arg3[%dma_start3A_339, %dma_start3A_340] : memref<1000000x128xf32, #tpu.memory_space<hbm>> -> memref<1000000x128xf32, #tpu.memory_space<hbm>>
      %dma_start3A_342 = tpu.memref_slice %arg10[%dma_start3A_333] : memref<4x!tpu.dma_semaphore, #tpu.memory_space<semaphore_mem>> -> memref<1x!tpu.dma_semaphore, #tpu.memory_space<semaphore_mem>>
      %dma_start3A_343 = tpu.memref_squeeze %dma_start3A_342 : memref<1x!tpu.dma_semaphore, #tpu.memory_space<semaphore_mem>> -> memref<!tpu.dma_semaphore, #tpu.memory_space<semaphore_mem>>
      tpu.enqueue_indirect_dma source(%dma_start3A_341 : memref<1000000x128xf32, #tpu.memory_space<hbm>>) target(%dma_start3A_337 : memref<40x128xf32, #tpu.memory_space<vmem>>) offsets(%dma_start3A_338 : memref<40xi32, #tpu.memory_space<vmem>>) semaphore(%dma_start3A_343 : memref<!tpu.dma_semaphore, #tpu.memory_space<semaphore_mem>>) {add = true}
      %mul3A_344 = arith.constant 200 : i32
      %mul3A_345 = arith.muli %add3A_283, %mul3A_344 : i32
      %add3A_346 = arith.constant 120 : i32
      %add3A_347 = arith.addi %mul3A_345, %add3A_346 : i32
      %dma_start3A_348 = arith.constant 1 : i32
      %dma_start3A_349 = arith.constant 1 : i32
      %dma_start3A_350 = arith.constant 120 : i32
      %dma_start3A_351 = arith.constant 0 : i32
      %dma_start3A_352 = tpu.memref_slice %arg7[%dma_start3A_348, %dma_start3A_350, %dma_start3A_351] : memref<4x200x128xf32, #tpu.memory_space<vmem>> -> memref<1x40x128xf32, #tpu.memory_space<vmem>>
      %dma_start3A_353 = tpu.memref_squeeze %dma_start3A_352 : memref<1x40x128xf32, #tpu.memory_space<vmem>> -> memref<40x128xf32, #tpu.memory_space<vmem>>
      %dma_start3A_354 = tpu.memref_slice %arg6[%add3A_347] : memref<6400xi32, #tpu.memory_space<vmem>> -> memref<40xi32, #tpu.memory_space<vmem>>
      %dma_start3A_355 = arith.constant 0 : i32
      %dma_start3A_356 = arith.constant 0 : i32
      %dma_start3A_357 = tpu.memref_slice %arg3[%dma_start3A_355, %dma_start3A_356] : memref<1000000x128xf32, #tpu.memory_space<hbm>> -> memref<1000000x128xf32, #tpu.memory_space<hbm>>
      %dma_start3A_358 = tpu.memref_slice %arg10[%dma_start3A_349] : memref<4x!tpu.dma_semaphore, #tpu.memory_space<semaphore_mem>> -> memref<1x!tpu.dma_semaphore, #tpu.memory_space<semaphore_mem>>
      %dma_start3A_359 = tpu.memref_squeeze %dma_start3A_358 : memref<1x!tpu.dma_semaphore, #tpu.memory_space<semaphore_mem>> -> memref<!tpu.dma_semaphore, #tpu.memory_space<semaphore_mem>>
      tpu.enqueue_indirect_dma source(%dma_start3A_357 : memref<1000000x128xf32, #tpu.memory_space<hbm>>) target(%dma_start3A_353 : memref<40x128xf32, #tpu.memory_space<vmem>>) offsets(%dma_start3A_354 : memref<40xi32, #tpu.memory_space<vmem>>) semaphore(%dma_start3A_359 : memref<!tpu.dma_semaphore, #tpu.memory_space<semaphore_mem>>) {add = true}
      %mul3A_360 = arith.constant 200 : i32
      %mul3A_361 = arith.muli %add3A_283, %mul3A_360 : i32
      %add3A_362 = arith.constant 160 : i32
      %add3A_363 = arith.addi %mul3A_361, %add3A_362 : i32
      %dma_start3A_364 = arith.constant 1 : i32
      %dma_start3A_365 = arith.constant 1 : i32
      %dma_start3A_366 = arith.constant 160 : i32
      %dma_start3A_367 = arith.constant 0 : i32
      %dma_start3A_368 = tpu.memref_slice %arg7[%dma_start3A_364, %dma_start3A_366, %dma_start3A_367] : memref<4x200x128xf32, #tpu.memory_space<vmem>> -> memref<1x40x128xf32, #tpu.memory_space<vmem>>
      %dma_start3A_369 = tpu.memref_squeeze %dma_start3A_368 : memref<1x40x128xf32, #tpu.memory_space<vmem>> -> memref<40x128xf32, #tpu.memory_space<vmem>>
      %dma_start3A_370 = tpu.memref_slice %arg6[%add3A_363] : memref<6400xi32, #tpu.memory_space<vmem>> -> memref<40xi32, #tpu.memory_space<vmem>>
      %dma_start3A_371 = arith.constant 0 : i32
      %dma_start3A_372 = arith.constant 0 : i32
      %dma_start3A_373 = tpu.memref_slice %arg3[%dma_start3A_371, %dma_start3A_372] : memref<1000000x128xf32, #tpu.memory_space<hbm>> -> memref<1000000x128xf32, #tpu.memory_space<hbm>>
      %dma_start3A_374 = tpu.memref_slice %arg10[%dma_start3A_365] : memref<4x!tpu.dma_semaphore, #tpu.memory_space<semaphore_mem>> -> memref<1x!tpu.dma_semaphore, #tpu.memory_space<semaphore_mem>>
      %dma_start3A_375 = tpu.memref_squeeze %dma_start3A_374 : memref<1x!tpu.dma_semaphore, #tpu.memory_space<semaphore_mem>> -> memref<!tpu.dma_semaphore, #tpu.memory_space<semaphore_mem>>
      tpu.enqueue_indirect_dma source(%dma_start3A_373 : memref<1000000x128xf32, #tpu.memory_space<hbm>>) target(%dma_start3A_369 : memref<40x128xf32, #tpu.memory_space<vmem>>) offsets(%dma_start3A_370 : memref<40xi32, #tpu.memory_space<vmem>>) semaphore(%dma_start3A_375 : memref<!tpu.dma_semaphore, #tpu.memory_space<semaphore_mem>>) {add = true}
      %mul3A_376 = arith.constant 4 : i32
      %mul3A_377 = arith.muli %scan3A_101, %mul3A_376 : i32
      %add3A_378 = arith.constant 2 : i32
      %add3A_379 = arith.addi %mul3A_377, %add3A_378 : i32
      %dma_wait3A_380 = arith.constant 2 : i32
      %dma_wait3A_381 = arith.constant 2 : i32
      %dma_wait3A_382 = arith.constant 0 : i32
      %dma_wait3A_383 = arith.constant 0 : i32
      %dma_wait3A_384 = tpu.memref_slice %arg7[%dma_wait3A_380, %dma_wait3A_382, %dma_wait3A_383] : memref<4x200x128xf32, #tpu.memory_space<vmem>> -> memref<1x200x128xf32, #tpu.memory_space<vmem>>
      %dma_wait3A_385 = tpu.memref_squeeze %dma_wait3A_384 : memref<1x200x128xf32, #tpu.memory_space<vmem>> -> memref<200x128xf32, #tpu.memory_space<vmem>>
      %dma_wait3A_386 = tpu.memref_slice %arg9[%dma_wait3A_381] : memref<4x!tpu.dma_semaphore, #tpu.memory_space<semaphore_mem>> -> memref<1x!tpu.dma_semaphore, #tpu.memory_space<semaphore_mem>>
      %dma_wait3A_387 = tpu.memref_squeeze %dma_wait3A_386 : memref<1x!tpu.dma_semaphore, #tpu.memory_space<semaphore_mem>> -> memref<!tpu.dma_semaphore, #tpu.memory_space<semaphore_mem>>
      %dma_wait3A_388 = arith.constant 0 : i32
      %dma_wait3A_389 = arith.constant 0 : i32
      %dma_wait3A_390 = tpu.memref_slice %arg7[%dma_wait3A_380, %dma_wait3A_388, %dma_wait3A_389] : memref<4x200x128xf32, #tpu.memory_space<vmem>> -> memref<1x200x128xf32, #tpu.memory_space<vmem>>
      %dma_wait3A_391 = tpu.memref_squeeze %dma_wait3A_390 : memref<1x200x128xf32, #tpu.memory_space<vmem>> -> memref<200x128xf32, #tpu.memory_space<vmem>>
      tpu.wait_dma2 semaphore(%dma_wait3A_387 : memref<!tpu.dma_semaphore, #tpu.memory_space<semaphore_mem>>) src(%arg8 : memref<200x128xf32, #tpu.memory_space<vmem_shared>>) dst(%dma_wait3A_391 : memref<200x128xf32, #tpu.memory_space<vmem>>)
      %mul3A_392 = arith.constant 200 : i32
      %mul3A_393 = arith.muli %add3A_379, %mul3A_392 : i32
      %add3A_394 = arith.constant 0 : i32
      %add3A_395 = arith.addi %mul3A_393, %add3A_394 : i32
      %dma_start3A_396 = arith.constant 2 : i32
      %dma_start3A_397 = arith.constant 2 : i32
      %dma_start3A_398 = arith.constant 0 : i32
      %dma_start3A_399 = arith.constant 0 : i32
      %dma_start3A_400 = tpu.memref_slice %arg7[%dma_start3A_396, %dma_start3A_398, %dma_start3A_399] : memref<4x200x128xf32, #tpu.memory_space<vmem>> -> memref<1x40x128xf32, #tpu.memory_space<vmem>>
      %dma_start3A_401 = tpu.memref_squeeze %dma_start3A_400 : memref<1x40x128xf32, #tpu.memory_space<vmem>> -> memref<40x128xf32, #tpu.memory_space<vmem>>
      %dma_start3A_402 = tpu.memref_slice %arg6[%add3A_395] : memref<6400xi32, #tpu.memory_space<vmem>> -> memref<40xi32, #tpu.memory_space<vmem>>
      %dma_start3A_403 = arith.constant 0 : i32
      %dma_start3A_404 = arith.constant 0 : i32
      %dma_start3A_405 = tpu.memref_slice %arg3[%dma_start3A_403, %dma_start3A_404] : memref<1000000x128xf32, #tpu.memory_space<hbm>> -> memref<1000000x128xf32, #tpu.memory_space<hbm>>
      %dma_start3A_406 = tpu.memref_slice %arg10[%dma_start3A_397] : memref<4x!tpu.dma_semaphore, #tpu.memory_space<semaphore_mem>> -> memref<1x!tpu.dma_semaphore, #tpu.memory_space<semaphore_mem>>
      %dma_start3A_407 = tpu.memref_squeeze %dma_start3A_406 : memref<1x!tpu.dma_semaphore, #tpu.memory_space<semaphore_mem>> -> memref<!tpu.dma_semaphore, #tpu.memory_space<semaphore_mem>>
      tpu.enqueue_indirect_dma source(%dma_start3A_405 : memref<1000000x128xf32, #tpu.memory_space<hbm>>) target(%dma_start3A_401 : memref<40x128xf32, #tpu.memory_space<vmem>>) offsets(%dma_start3A_402 : memref<40xi32, #tpu.memory_space<vmem>>) semaphore(%dma_start3A_407 : memref<!tpu.dma_semaphore, #tpu.memory_space<semaphore_mem>>) {add = true}
      %mul3A_408 = arith.constant 200 : i32
      %mul3A_409 = arith.muli %add3A_379, %mul3A_408 : i32
      %add3A_410 = arith.constant 40 : i32
      %add3A_411 = arith.addi %mul3A_409, %add3A_410 : i32
      %dma_start3A_412 = arith.constant 2 : i32
      %dma_start3A_413 = arith.constant 2 : i32
      %dma_start3A_414 = arith.constant 40 : i32
      %dma_start3A_415 = arith.constant 0 : i32
      %dma_start3A_416 = tpu.memref_slice %arg7[%dma_start3A_412, %dma_start3A_414, %dma_start3A_415] : memref<4x200x128xf32, #tpu.memory_space<vmem>> -> memref<1x40x128xf32, #tpu.memory_space<vmem>>
      %dma_start3A_417 = tpu.memref_squeeze %dma_start3A_416 : memref<1x40x128xf32, #tpu.memory_space<vmem>> -> memref<40x128xf32, #tpu.memory_space<vmem>>
      %dma_start3A_418 = tpu.memref_slice %arg6[%add3A_411] : memref<6400xi32, #tpu.memory_space<vmem>> -> memref<40xi32, #tpu.memory_space<vmem>>
      %dma_start3A_419 = arith.constant 0 : i32
      %dma_start3A_420 = arith.constant 0 : i32
      %dma_start3A_421 = tpu.memref_slice %arg3[%dma_start3A_419, %dma_start3A_420] : memref<1000000x128xf32, #tpu.memory_space<hbm>> -> memref<1000000x128xf32, #tpu.memory_space<hbm>>
      %dma_start3A_422 = tpu.memref_slice %arg10[%dma_start3A_413] : memref<4x!tpu.dma_semaphore, #tpu.memory_space<semaphore_mem>> -> memref<1x!tpu.dma_semaphore, #tpu.memory_space<semaphore_mem>>
      %dma_start3A_423 = tpu.memref_squeeze %dma_start3A_422 : memref<1x!tpu.dma_semaphore, #tpu.memory_space<semaphore_mem>> -> memref<!tpu.dma_semaphore, #tpu.memory_space<semaphore_mem>>
      tpu.enqueue_indirect_dma source(%dma_start3A_421 : memref<1000000x128xf32, #tpu.memory_space<hbm>>) target(%dma_start3A_417 : memref<40x128xf32, #tpu.memory_space<vmem>>) offsets(%dma_start3A_418 : memref<40xi32, #tpu.memory_space<vmem>>) semaphore(%dma_start3A_423 : memref<!tpu.dma_semaphore, #tpu.memory_space<semaphore_mem>>) {add = true}
      %mul3A_424 = arith.constant 200 : i32
      %mul3A_425 = arith.muli %add3A_379, %mul3A_424 : i32
      %add3A_426 = arith.constant 80 : i32
      %add3A_427 = arith.addi %mul3A_425, %add3A_426 : i32
      %dma_start3A_428 = arith.constant 2 : i32
      %dma_start3A_429 = arith.constant 2 : i32
      %dma_start3A_430 = arith.constant 80 : i32
      %dma_start3A_431 = arith.constant 0 : i32
      %dma_start3A_432 = tpu.memref_slice %arg7[%dma_start3A_428, %dma_start3A_430, %dma_start3A_431] : memref<4x200x128xf32, #tpu.memory_space<vmem>> -> memref<1x40x128xf32, #tpu.memory_space<vmem>>
      %dma_start3A_433 = tpu.memref_squeeze %dma_start3A_432 : memref<1x40x128xf32, #tpu.memory_space<vmem>> -> memref<40x128xf32, #tpu.memory_space<vmem>>
      %dma_start3A_434 = tpu.memref_slice %arg6[%add3A_427] : memref<6400xi32, #tpu.memory_space<vmem>> -> memref<40xi32, #tpu.memory_space<vmem>>
      %dma_start3A_435 = arith.constant 0 : i32
      %dma_start3A_436 = arith.constant 0 : i32
      %dma_start3A_437 = tpu.memref_slice %arg3[%dma_start3A_435, %dma_start3A_436] : memref<1000000x128xf32, #tpu.memory_space<hbm>> -> memref<1000000x128xf32, #tpu.memory_space<hbm>>
      %dma_start3A_438 = tpu.memref_slice %arg10[%dma_start3A_429] : memref<4x!tpu.dma_semaphore, #tpu.memory_space<semaphore_mem>> -> memref<1x!tpu.dma_semaphore, #tpu.memory_space<semaphore_mem>>
      %dma_start3A_439 = tpu.memref_squeeze %dma_start3A_438 : memref<1x!tpu.dma_semaphore, #tpu.memory_space<semaphore_mem>> -> memref<!tpu.dma_semaphore, #tpu.memory_space<semaphore_mem>>
      tpu.enqueue_indirect_dma source(%dma_start3A_437 : memref<1000000x128xf32, #tpu.memory_space<hbm>>) target(%dma_start3A_433 : memref<40x128xf32, #tpu.memory_space<vmem>>) offsets(%dma_start3A_434 : memref<40xi32, #tpu.memory_space<vmem>>) semaphore(%dma_start3A_439 : memref<!tpu.dma_semaphore, #tpu.memory_space<semaphore_mem>>) {add = true}
      %mul3A_440 = arith.constant 200 : i32
      %mul3A_441 = arith.muli %add3A_379, %mul3A_440 : i32
      %add3A_442 = arith.constant 120 : i32
      %add3A_443 = arith.addi %mul3A_441, %add3A_442 : i32
      %dma_start3A_444 = arith.constant 2 : i32
      %dma_start3A_445 = arith.constant 2 : i32
      %dma_start3A_446 = arith.constant 120 : i32
      %dma_start3A_447 = arith.constant 0 : i32
      %dma_start3A_448 = tpu.memref_slice %arg7[%dma_start3A_444, %dma_start3A_446, %dma_start3A_447] : memref<4x200x128xf32, #tpu.memory_space<vmem>> -> memref<1x40x128xf32, #tpu.memory_space<vmem>>
      %dma_start3A_449 = tpu.memref_squeeze %dma_start3A_448 : memref<1x40x128xf32, #tpu.memory_space<vmem>> -> memref<40x128xf32, #tpu.memory_space<vmem>>
      %dma_start3A_450 = tpu.memref_slice %arg6[%add3A_443] : memref<6400xi32, #tpu.memory_space<vmem>> -> memref<40xi32, #tpu.memory_space<vmem>>
      %dma_start3A_451 = arith.constant 0 : i32
      %dma_start3A_452 = arith.constant 0 : i32
      %dma_start3A_453 = tpu.memref_slice %arg3[%dma_start3A_451, %dma_start3A_452] : memref<1000000x128xf32, #tpu.memory_space<hbm>> -> memref<1000000x128xf32, #tpu.memory_space<hbm>>
      %dma_start3A_454 = tpu.memref_slice %arg10[%dma_start3A_445] : memref<4x!tpu.dma_semaphore, #tpu.memory_space<semaphore_mem>> -> memref<1x!tpu.dma_semaphore, #tpu.memory_space<semaphore_mem>>
      %dma_start3A_455 = tpu.memref_squeeze %dma_start3A_454 : memref<1x!tpu.dma_semaphore, #tpu.memory_space<semaphore_mem>> -> memref<!tpu.dma_semaphore, #tpu.memory_space<semaphore_mem>>
      tpu.enqueue_indirect_dma source(%dma_start3A_453 : memref<1000000x128xf32, #tpu.memory_space<hbm>>) target(%dma_start3A_449 : memref<40x128xf32, #tpu.memory_space<vmem>>) offsets(%dma_start3A_450 : memref<40xi32, #tpu.memory_space<vmem>>) semaphore(%dma_start3A_455 : memref<!tpu.dma_semaphore, #tpu.memory_space<semaphore_mem>>) {add = true}
      %mul3A_456 = arith.constant 200 : i32
      %mul3A_457 = arith.muli %add3A_379, %mul3A_456 : i32
      %add3A_458 = arith.constant 160 : i32
      %add3A_459 = arith.addi %mul3A_457, %add3A_458 : i32
      %dma_start3A_460 = arith.constant 2 : i32
      %dma_start3A_461 = arith.constant 2 : i32
      %dma_start3A_462 = arith.constant 160 : i32
      %dma_start3A_463 = arith.constant 0 : i32
      %dma_start3A_464 = tpu.memref_slice %arg7[%dma_start3A_460, %dma_start3A_462, %dma_start3A_463] : memref<4x200x128xf32, #tpu.memory_space<vmem>> -> memref<1x40x128xf32, #tpu.memory_space<vmem>>
      %dma_start3A_465 = tpu.memref_squeeze %dma_start3A_464 : memref<1x40x128xf32, #tpu.memory_space<vmem>> -> memref<40x128xf32, #tpu.memory_space<vmem>>
      %dma_start3A_466 = tpu.memref_slice %arg6[%add3A_459] : memref<6400xi32, #tpu.memory_space<vmem>> -> memref<40xi32, #tpu.memory_space<vmem>>
      %dma_start3A_467 = arith.constant 0 : i32
      %dma_start3A_468 = arith.constant 0 : i32
      %dma_start3A_469 = tpu.memref_slice %arg3[%dma_start3A_467, %dma_start3A_468] : memref<1000000x128xf32, #tpu.memory_space<hbm>> -> memref<1000000x128xf32, #tpu.memory_space<hbm>>
      %dma_start3A_470 = tpu.memref_slice %arg10[%dma_start3A_461] : memref<4x!tpu.dma_semaphore, #tpu.memory_space<semaphore_mem>> -> memref<1x!tpu.dma_semaphore, #tpu.memory_space<semaphore_mem>>
      %dma_start3A_471 = tpu.memref_squeeze %dma_start3A_470 : memref<1x!tpu.dma_semaphore, #tpu.memory_space<semaphore_mem>> -> memref<!tpu.dma_semaphore, #tpu.memory_space<semaphore_mem>>
      tpu.enqueue_indirect_dma source(%dma_start3A_469 : memref<1000000x128xf32, #tpu.memory_space<hbm>>) target(%dma_start3A_465 : memref<40x128xf32, #tpu.memory_space<vmem>>) offsets(%dma_start3A_466 : memref<40xi32, #tpu.memory_space<vmem>>) semaphore(%dma_start3A_471 : memref<!tpu.dma_semaphore, #tpu.memory_space<semaphore_mem>>) {add = true}
      %mul3A_472 = arith.constant 4 : i32
      %mul3A_473 = arith.muli %scan3A_101, %mul3A_472 : i32
      %add3A_474 = arith.constant 3 : i32
      %add3A_475 = arith.addi %mul3A_473, %add3A_474 : i32
      %dma_wait3A_476 = arith.constant 3 : i32
      %dma_wait3A_477 = arith.constant 3 : i32
      %dma_wait3A_478 = arith.constant 0 : i32
      %dma_wait3A_479 = arith.constant 0 : i32
      %dma_wait3A_480 = tpu.memref_slice %arg7[%dma_wait3A_476, %dma_wait3A_478, %dma_wait3A_479] : memref<4x200x128xf32, #tpu.memory_space<vmem>> -> memref<1x200x128xf32, #tpu.memory_space<vmem>>
      %dma_wait3A_481 = tpu.memref_squeeze %dma_wait3A_480 : memref<1x200x128xf32, #tpu.memory_space<vmem>> -> memref<200x128xf32, #tpu.memory_space<vmem>>
      %dma_wait3A_482 = tpu.memref_slice %arg9[%dma_wait3A_477] : memref<4x!tpu.dma_semaphore, #tpu.memory_space<semaphore_mem>> -> memref<1x!tpu.dma_semaphore, #tpu.memory_space<semaphore_mem>>
      %dma_wait3A_483 = tpu.memref_squeeze %dma_wait3A_482 : memref<1x!tpu.dma_semaphore, #tpu.memory_space<semaphore_mem>> -> memref<!tpu.dma_semaphore, #tpu.memory_space<semaphore_mem>>
      %dma_wait3A_484 = arith.constant 0 : i32
      %dma_wait3A_485 = arith.constant 0 : i32
      %dma_wait3A_486 = tpu.memref_slice %arg7[%dma_wait3A_476, %dma_wait3A_484, %dma_wait3A_485] : memref<4x200x128xf32, #tpu.memory_space<vmem>> -> memref<1x200x128xf32, #tpu.memory_space<vmem>>
      %dma_wait3A_487 = tpu.memref_squeeze %dma_wait3A_486 : memref<1x200x128xf32, #tpu.memory_space<vmem>> -> memref<200x128xf32, #tpu.memory_space<vmem>>
      tpu.wait_dma2 semaphore(%dma_wait3A_483 : memref<!tpu.dma_semaphore, #tpu.memory_space<semaphore_mem>>) src(%arg8 : memref<200x128xf32, #tpu.memory_space<vmem_shared>>) dst(%dma_wait3A_487 : memref<200x128xf32, #tpu.memory_space<vmem>>)
      %mul3A_488 = arith.constant 200 : i32
      %mul3A_489 = arith.muli %add3A_475, %mul3A_488 : i32
      %add3A_490 = arith.constant 0 : i32
      %add3A_491 = arith.addi %mul3A_489, %add3A_490 : i32
      %dma_start3A_492 = arith.constant 3 : i32
      %dma_start3A_493 = arith.constant 3 : i32
      %dma_start3A_494 = arith.constant 0 : i32
      %dma_start3A_495 = arith.constant 0 : i32
      %dma_start3A_496 = tpu.memref_slice %arg7[%dma_start3A_492, %dma_start3A_494, %dma_start3A_495] : memref<4x200x128xf32, #tpu.memory_space<vmem>> -> memref<1x40x128xf32, #tpu.memory_space<vmem>>
      %dma_start3A_497 = tpu.memref_squeeze %dma_start3A_496 : memref<1x40x128xf32, #tpu.memory_space<vmem>> -> memref<40x128xf32, #tpu.memory_space<vmem>>
      %dma_start3A_498 = tpu.memref_slice %arg6[%add3A_491] : memref<6400xi32, #tpu.memory_space<vmem>> -> memref<40xi32, #tpu.memory_space<vmem>>
      %dma_start3A_499 = arith.constant 0 : i32
      %dma_start3A_500 = arith.constant 0 : i32
      %dma_start3A_501 = tpu.memref_slice %arg3[%dma_start3A_499, %dma_start3A_500] : memref<1000000x128xf32, #tpu.memory_space<hbm>> -> memref<1000000x128xf32, #tpu.memory_space<hbm>>
      %dma_start3A_502 = tpu.memref_slice %arg10[%dma_start3A_493] : memref<4x!tpu.dma_semaphore, #tpu.memory_space<semaphore_mem>> -> memref<1x!tpu.dma_semaphore, #tpu.memory_space<semaphore_mem>>
      %dma_start3A_503 = tpu.memref_squeeze %dma_start3A_502 : memref<1x!tpu.dma_semaphore, #tpu.memory_space<semaphore_mem>> -> memref<!tpu.dma_semaphore, #tpu.memory_space<semaphore_mem>>
      tpu.enqueue_indirect_dma source(%dma_start3A_501 : memref<1000000x128xf32, #tpu.memory_space<hbm>>) target(%dma_start3A_497 : memref<40x128xf32, #tpu.memory_space<vmem>>) offsets(%dma_start3A_498 : memref<40xi32, #tpu.memory_space<vmem>>) semaphore(%dma_start3A_503 : memref<!tpu.dma_semaphore, #tpu.memory_space<semaphore_mem>>) {add = true}
      %mul3A_504 = arith.constant 200 : i32
      %mul3A_505 = arith.muli %add3A_475, %mul3A_504 : i32
      %add3A_506 = arith.constant 40 : i32
      %add3A_507 = arith.addi %mul3A_505, %add3A_506 : i32
      %dma_start3A_508 = arith.constant 3 : i32
      %dma_start3A_509 = arith.constant 3 : i32
      %dma_start3A_510 = arith.constant 40 : i32
      %dma_start3A_511 = arith.constant 0 : i32
      %dma_start3A_512 = tpu.memref_slice %arg7[%dma_start3A_508, %dma_start3A_510, %dma_start3A_511] : memref<4x200x128xf32, #tpu.memory_space<vmem>> -> memref<1x40x128xf32, #tpu.memory_space<vmem>>
      %dma_start3A_513 = tpu.memref_squeeze %dma_start3A_512 : memref<1x40x128xf32, #tpu.memory_space<vmem>> -> memref<40x128xf32, #tpu.memory_space<vmem>>
      %dma_start3A_514 = tpu.memref_slice %arg6[%add3A_507] : memref<6400xi32, #tpu.memory_space<vmem>> -> memref<40xi32, #tpu.memory_space<vmem>>
      %dma_start3A_515 = arith.constant 0 : i32
      %dma_start3A_516 = arith.constant 0 : i32
      %dma_start3A_517 = tpu.memref_slice %arg3[%dma_start3A_515, %dma_start3A_516] : memref<1000000x128xf32, #tpu.memory_space<hbm>> -> memref<1000000x128xf32, #tpu.memory_space<hbm>>
      %dma_start3A_518 = tpu.memref_slice %arg10[%dma_start3A_509] : memref<4x!tpu.dma_semaphore, #tpu.memory_space<semaphore_mem>> -> memref<1x!tpu.dma_semaphore, #tpu.memory_space<semaphore_mem>>
      %dma_start3A_519 = tpu.memref_squeeze %dma_start3A_518 : memref<1x!tpu.dma_semaphore, #tpu.memory_space<semaphore_mem>> -> memref<!tpu.dma_semaphore, #tpu.memory_space<semaphore_mem>>
      tpu.enqueue_indirect_dma source(%dma_start3A_517 : memref<1000000x128xf32, #tpu.memory_space<hbm>>) target(%dma_start3A_513 : memref<40x128xf32, #tpu.memory_space<vmem>>) offsets(%dma_start3A_514 : memref<40xi32, #tpu.memory_space<vmem>>) semaphore(%dma_start3A_519 : memref<!tpu.dma_semaphore, #tpu.memory_space<semaphore_mem>>) {add = true}
      %mul3A_520 = arith.constant 200 : i32
      %mul3A_521 = arith.muli %add3A_475, %mul3A_520 : i32
      %add3A_522 = arith.constant 80 : i32
      %add3A_523 = arith.addi %mul3A_521, %add3A_522 : i32
      %dma_start3A_524 = arith.constant 3 : i32
      %dma_start3A_525 = arith.constant 3 : i32
      %dma_start3A_526 = arith.constant 80 : i32
      %dma_start3A_527 = arith.constant 0 : i32
      %dma_start3A_528 = tpu.memref_slice %arg7[%dma_start3A_524, %dma_start3A_526, %dma_start3A_527] : memref<4x200x128xf32, #tpu.memory_space<vmem>> -> memref<1x40x128xf32, #tpu.memory_space<vmem>>
      %dma_start3A_529 = tpu.memref_squeeze %dma_start3A_528 : memref<1x40x128xf32, #tpu.memory_space<vmem>> -> memref<40x128xf32, #tpu.memory_space<vmem>>
      %dma_start3A_530 = tpu.memref_slice %arg6[%add3A_523] : memref<6400xi32, #tpu.memory_space<vmem>> -> memref<40xi32, #tpu.memory_space<vmem>>
      %dma_start3A_531 = arith.constant 0 : i32
      %dma_start3A_532 = arith.constant 0 : i32
      %dma_start3A_533 = tpu.memref_slice %arg3[%dma_start3A_531, %dma_start3A_532] : memref<1000000x128xf32, #tpu.memory_space<hbm>> -> memref<1000000x128xf32, #tpu.memory_space<hbm>>
      %dma_start3A_534 = tpu.memref_slice %arg10[%dma_start3A_525] : memref<4x!tpu.dma_semaphore, #tpu.memory_space<semaphore_mem>> -> memref<1x!tpu.dma_semaphore, #tpu.memory_space<semaphore_mem>>
      %dma_start3A_535 = tpu.memref_squeeze %dma_start3A_534 : memref<1x!tpu.dma_semaphore, #tpu.memory_space<semaphore_mem>> -> memref<!tpu.dma_semaphore, #tpu.memory_space<semaphore_mem>>
      tpu.enqueue_indirect_dma source(%dma_start3A_533 : memref<1000000x128xf32, #tpu.memory_space<hbm>>) target(%dma_start3A_529 : memref<40x128xf32, #tpu.memory_space<vmem>>) offsets(%dma_start3A_530 : memref<40xi32, #tpu.memory_space<vmem>>) semaphore(%dma_start3A_535 : memref<!tpu.dma_semaphore, #tpu.memory_space<semaphore_mem>>) {add = true}
      %mul3A_536 = arith.constant 200 : i32
      %mul3A_537 = arith.muli %add3A_475, %mul3A_536 : i32
      %add3A_538 = arith.constant 120 : i32
      %add3A_539 = arith.addi %mul3A_537, %add3A_538 : i32
      %dma_start3A_540 = arith.constant 3 : i32
      %dma_start3A_541 = arith.constant 3 : i32
      %dma_start3A_542 = arith.constant 120 : i32
      %dma_start3A_543 = arith.constant 0 : i32
      %dma_start3A_544 = tpu.memref_slice %arg7[%dma_start3A_540, %dma_start3A_542, %dma_start3A_543] : memref<4x200x128xf32, #tpu.memory_space<vmem>> -> memref<1x40x128xf32, #tpu.memory_space<vmem>>
      %dma_start3A_545 = tpu.memref_squeeze %dma_start3A_544 : memref<1x40x128xf32, #tpu.memory_space<vmem>> -> memref<40x128xf32, #tpu.memory_space<vmem>>
      %dma_start3A_546 = tpu.memref_slice %arg6[%add3A_539] : memref<6400xi32, #tpu.memory_space<vmem>> -> memref<40xi32, #tpu.memory_space<vmem>>
      %dma_start3A_547 = arith.constant 0 : i32
      %dma_start3A_548 = arith.constant 0 : i32
      %dma_start3A_549 = tpu.memref_slice %arg3[%dma_start3A_547, %dma_start3A_548] : memref<1000000x128xf32, #tpu.memory_space<hbm>> -> memref<1000000x128xf32, #tpu.memory_space<hbm>>
      %dma_start3A_550 = tpu.memref_slice %arg10[%dma_start3A_541] : memref<4x!tpu.dma_semaphore, #tpu.memory_space<semaphore_mem>> -> memref<1x!tpu.dma_semaphore, #tpu.memory_space<semaphore_mem>>
      %dma_start3A_551 = tpu.memref_squeeze %dma_start3A_550 : memref<1x!tpu.dma_semaphore, #tpu.memory_space<semaphore_mem>> -> memref<!tpu.dma_semaphore, #tpu.memory_space<semaphore_mem>>
      tpu.enqueue_indirect_dma source(%dma_start3A_549 : memref<1000000x128xf32, #tpu.memory_space<hbm>>) target(%dma_start3A_545 : memref<40x128xf32, #tpu.memory_space<vmem>>) offsets(%dma_start3A_546 : memref<40xi32, #tpu.memory_space<vmem>>) semaphore(%dma_start3A_551 : memref<!tpu.dma_semaphore, #tpu.memory_space<semaphore_mem>>) {add = true}
      %mul3A_552 = arith.constant 200 : i32
      %mul3A_553 = arith.muli %add3A_475, %mul3A_552 : i32
      %add3A_554 = arith.constant 160 : i32
      %add3A_555 = arith.addi %mul3A_553, %add3A_554 : i32
      %dma_start3A_556 = arith.constant 3 : i32
      %dma_start3A_557 = arith.constant 3 : i32
      %dma_start3A_558 = arith.constant 160 : i32
      %dma_start3A_559 = arith.constant 0 : i32
      %dma_start3A_560 = tpu.memref_slice %arg7[%dma_start3A_556, %dma_start3A_558, %dma_start3A_559] : memref<4x200x128xf32, #tpu.memory_space<vmem>> -> memref<1x40x128xf32, #tpu.memory_space<vmem>>
      %dma_start3A_561 = tpu.memref_squeeze %dma_start3A_560 : memref<1x40x128xf32, #tpu.memory_space<vmem>> -> memref<40x128xf32, #tpu.memory_space<vmem>>
      %dma_start3A_562 = tpu.memref_slice %arg6[%add3A_555] : memref<6400xi32, #tpu.memory_space<vmem>> -> memref<40xi32, #tpu.memory_space<vmem>>
      %dma_start3A_563 = arith.constant 0 : i32
      %dma_start3A_564 = arith.constant 0 : i32
      %dma_start3A_565 = tpu.memref_slice %arg3[%dma_start3A_563, %dma_start3A_564] : memref<1000000x128xf32, #tpu.memory_space<hbm>> -> memref<1000000x128xf32, #tpu.memory_space<hbm>>
      %dma_start3A_566 = tpu.memref_slice %arg10[%dma_start3A_557] : memref<4x!tpu.dma_semaphore, #tpu.memory_space<semaphore_mem>> -> memref<1x!tpu.dma_semaphore, #tpu.memory_space<semaphore_mem>>
      %dma_start3A_567 = tpu.memref_squeeze %dma_start3A_566 : memref<1x!tpu.dma_semaphore, #tpu.memory_space<semaphore_mem>> -> memref<!tpu.dma_semaphore, #tpu.memory_space<semaphore_mem>>
      tpu.enqueue_indirect_dma source(%dma_start3A_565 : memref<1000000x128xf32, #tpu.memory_space<hbm>>) target(%dma_start3A_561 : memref<40x128xf32, #tpu.memory_space<vmem>>) offsets(%dma_start3A_562 : memref<40xi32, #tpu.memory_space<vmem>>) semaphore(%dma_start3A_567 : memref<!tpu.dma_semaphore, #tpu.memory_space<semaphore_mem>>) {add = true}
      %mul3A_568 = arith.constant 4 : i32
      %mul3A_569 = arith.muli %scan3A_101, %mul3A_568 : i32
      %add3A_570 = arith.constant 0 : i32
      %add3A_571 = arith.addi %mul3A_569, %add3A_570 : i32
      %mul3A_572 = arith.constant 200 : i32
      %mul3A_573 = arith.muli %add3A_571, %mul3A_572 : i32
      %add3A_574 = arith.constant 0 : i32
      %add3A_575 = arith.addi %mul3A_573, %add3A_574 : i32
      %dma_wait3A_576 = arith.constant 0 : i32
      %dma_wait3A_577 = arith.constant 0 : i32
      %dma_wait3A_578 = arith.constant 0 : i32
      %dma_wait3A_579 = arith.constant 0 : i32
      %dma_wait3A_580 = tpu.memref_slice %arg7[%dma_wait3A_576, %dma_wait3A_578, %dma_wait3A_579] : memref<4x200x128xf32, #tpu.memory_space<vmem>> -> memref<1x40x128xf32, #tpu.memory_space<vmem>>
      %dma_wait3A_581 = tpu.memref_squeeze %dma_wait3A_580 : memref<1x40x128xf32, #tpu.memory_space<vmem>> -> memref<40x128xf32, #tpu.memory_space<vmem>>
      %dma_wait3A_582 = tpu.memref_slice %arg6[%add3A_575] : memref<6400xi32, #tpu.memory_space<vmem>> -> memref<40xi32, #tpu.memory_space<vmem>>
      %dma_wait3A_583 = arith.constant 0 : i32
      %dma_wait3A_584 = arith.constant 0 : i32
      %dma_wait3A_585 = tpu.memref_slice %arg3[%dma_wait3A_583, %dma_wait3A_584] : memref<1000000x128xf32, #tpu.memory_space<hbm>> -> memref<1000000x128xf32, #tpu.memory_space<hbm>>
      %dma_wait3A_586 = tpu.memref_slice %arg10[%dma_wait3A_577] : memref<4x!tpu.dma_semaphore, #tpu.memory_space<semaphore_mem>> -> memref<1x!tpu.dma_semaphore, #tpu.memory_space<semaphore_mem>>
      %dma_wait3A_587 = tpu.memref_squeeze %dma_wait3A_586 : memref<1x!tpu.dma_semaphore, #tpu.memory_space<semaphore_mem>> -> memref<!tpu.dma_semaphore, #tpu.memory_space<semaphore_mem>>
      tpu.wait_indirect_dma semaphore(%dma_wait3A_587 : memref<!tpu.dma_semaphore, #tpu.memory_space<semaphore_mem>>) src(%dma_wait3A_585 : memref<1000000x128xf32, #tpu.memory_space<hbm>>) dst(%dma_wait3A_581 : memref<40x128xf32, #tpu.memory_space<vmem>>)
      %mul3A_588 = arith.constant 200 : i32
      %mul3A_589 = arith.muli %add3A_571, %mul3A_588 : i32
      %add3A_590 = arith.constant 40 : i32
      %add3A_591 = arith.addi %mul3A_589, %add3A_590 : i32
      %dma_wait3A_592 = arith.constant 0 : i32
      %dma_wait3A_593 = arith.constant 0 : i32
      %dma_wait3A_594 = arith.constant 40 : i32
      %dma_wait3A_595 = arith.constant 0 : i32
      %dma_wait3A_596 = tpu.memref_slice %arg7[%dma_wait3A_592, %dma_wait3A_594, %dma_wait3A_595] : memref<4x200x128xf32, #tpu.memory_space<vmem>> -> memref<1x40x128xf32, #tpu.memory_space<vmem>>
      %dma_wait3A_597 = tpu.memref_squeeze %dma_wait3A_596 : memref<1x40x128xf32, #tpu.memory_space<vmem>> -> memref<40x128xf32, #tpu.memory_space<vmem>>
      %dma_wait3A_598 = tpu.memref_slice %arg6[%add3A_591] : memref<6400xi32, #tpu.memory_space<vmem>> -> memref<40xi32, #tpu.memory_space<vmem>>
      %dma_wait3A_599 = arith.constant 0 : i32
      %dma_wait3A_600 = arith.constant 0 : i32
      %dma_wait3A_601 = tpu.memref_slice %arg3[%dma_wait3A_599, %dma_wait3A_600] : memref<1000000x128xf32, #tpu.memory_space<hbm>> -> memref<1000000x128xf32, #tpu.memory_space<hbm>>
      %dma_wait3A_602 = tpu.memref_slice %arg10[%dma_wait3A_593] : memref<4x!tpu.dma_semaphore, #tpu.memory_space<semaphore_mem>> -> memref<1x!tpu.dma_semaphore, #tpu.memory_space<semaphore_mem>>
      %dma_wait3A_603 = tpu.memref_squeeze %dma_wait3A_602 : memref<1x!tpu.dma_semaphore, #tpu.memory_space<semaphore_mem>> -> memref<!tpu.dma_semaphore, #tpu.memory_space<semaphore_mem>>
      tpu.wait_indirect_dma semaphore(%dma_wait3A_603 : memref<!tpu.dma_semaphore, #tpu.memory_space<semaphore_mem>>) src(%dma_wait3A_601 : memref<1000000x128xf32, #tpu.memory_space<hbm>>) dst(%dma_wait3A_597 : memref<40x128xf32, #tpu.memory_space<vmem>>)
      %mul3A_604 = arith.constant 200 : i32
      %mul3A_605 = arith.muli %add3A_571, %mul3A_604 : i32
      %add3A_606 = arith.constant 80 : i32
      %add3A_607 = arith.addi %mul3A_605, %add3A_606 : i32
      %dma_wait3A_608 = arith.constant 0 : i32
      %dma_wait3A_609 = arith.constant 0 : i32
      %dma_wait3A_610 = arith.constant 80 : i32
      %dma_wait3A_611 = arith.constant 0 : i32
      %dma_wait3A_612 = tpu.memref_slice %arg7[%dma_wait3A_608, %dma_wait3A_610, %dma_wait3A_611] : memref<4x200x128xf32, #tpu.memory_space<vmem>> -> memref<1x40x128xf32, #tpu.memory_space<vmem>>
      %dma_wait3A_613 = tpu.memref_squeeze %dma_wait3A_612 : memref<1x40x128xf32, #tpu.memory_space<vmem>> -> memref<40x128xf32, #tpu.memory_space<vmem>>
      %dma_wait3A_614 = tpu.memref_slice %arg6[%add3A_607] : memref<6400xi32, #tpu.memory_space<vmem>> -> memref<40xi32, #tpu.memory_space<vmem>>
      %dma_wait3A_615 = arith.constant 0 : i32
      %dma_wait3A_616 = arith.constant 0 : i32
      %dma_wait3A_617 = tpu.memref_slice %arg3[%dma_wait3A_615, %dma_wait3A_616] : memref<1000000x128xf32, #tpu.memory_space<hbm>> -> memref<1000000x128xf32, #tpu.memory_space<hbm>>
      %dma_wait3A_618 = tpu.memref_slice %arg10[%dma_wait3A_609] : memref<4x!tpu.dma_semaphore, #tpu.memory_space<semaphore_mem>> -> memref<1x!tpu.dma_semaphore, #tpu.memory_space<semaphore_mem>>
      %dma_wait3A_619 = tpu.memref_squeeze %dma_wait3A_618 : memref<1x!tpu.dma_semaphore, #tpu.memory_space<semaphore_mem>> -> memref<!tpu.dma_semaphore, #tpu.memory_space<semaphore_mem>>
      tpu.wait_indirect_dma semaphore(%dma_wait3A_619 : memref<!tpu.dma_semaphore, #tpu.memory_space<semaphore_mem>>) src(%dma_wait3A_617 : memref<1000000x128xf32, #tpu.memory_space<hbm>>) dst(%dma_wait3A_613 : memref<40x128xf32, #tpu.memory_space<vmem>>)
      %mul3A_620 = arith.constant 200 : i32
      %mul3A_621 = arith.muli %add3A_571, %mul3A_620 : i32
      %add3A_622 = arith.constant 120 : i32
      %add3A_623 = arith.addi %mul3A_621, %add3A_622 : i32
      %dma_wait3A_624 = arith.constant 0 : i32
      %dma_wait3A_625 = arith.constant 0 : i32
      %dma_wait3A_626 = arith.constant 120 : i32
      %dma_wait3A_627 = arith.constant 0 : i32
      %dma_wait3A_628 = tpu.memref_slice %arg7[%dma_wait3A_624, %dma_wait3A_626, %dma_wait3A_627] : memref<4x200x128xf32, #tpu.memory_space<vmem>> -> memref<1x40x128xf32, #tpu.memory_space<vmem>>
      %dma_wait3A_629 = tpu.memref_squeeze %dma_wait3A_628 : memref<1x40x128xf32, #tpu.memory_space<vmem>> -> memref<40x128xf32, #tpu.memory_space<vmem>>
      %dma_wait3A_630 = tpu.memref_slice %arg6[%add3A_623] : memref<6400xi32, #tpu.memory_space<vmem>> -> memref<40xi32, #tpu.memory_space<vmem>>
      %dma_wait3A_631 = arith.constant 0 : i32
      %dma_wait3A_632 = arith.constant 0 : i32
      %dma_wait3A_633 = tpu.memref_slice %arg3[%dma_wait3A_631, %dma_wait3A_632] : memref<1000000x128xf32, #tpu.memory_space<hbm>> -> memref<1000000x128xf32, #tpu.memory_space<hbm>>
      %dma_wait3A_634 = tpu.memref_slice %arg10[%dma_wait3A_625] : memref<4x!tpu.dma_semaphore, #tpu.memory_space<semaphore_mem>> -> memref<1x!tpu.dma_semaphore, #tpu.memory_space<semaphore_mem>>
      %dma_wait3A_635 = tpu.memref_squeeze %dma_wait3A_634 : memref<1x!tpu.dma_semaphore, #tpu.memory_space<semaphore_mem>> -> memref<!tpu.dma_semaphore, #tpu.memory_space<semaphore_mem>>
      tpu.wait_indirect_dma semaphore(%dma_wait3A_635 : memref<!tpu.dma_semaphore, #tpu.memory_space<semaphore_mem>>) src(%dma_wait3A_633 : memref<1000000x128xf32, #tpu.memory_space<hbm>>) dst(%dma_wait3A_629 : memref<40x128xf32, #tpu.memory_space<vmem>>)
      %mul3A_636 = arith.constant 200 : i32
      %mul3A_637 = arith.muli %add3A_571, %mul3A_636 : i32
      %add3A_638 = arith.constant 160 : i32
      %add3A_639 = arith.addi %mul3A_637, %add3A_638 : i32
      %dma_wait3A_640 = arith.constant 0 : i32
      %dma_wait3A_641 = arith.constant 0 : i32
      %dma_wait3A_642 = arith.constant 160 : i32
      %dma_wait3A_643 = arith.constant 0 : i32
      %dma_wait3A_644 = tpu.memref_slice %arg7[%dma_wait3A_640, %dma_wait3A_642, %dma_wait3A_643] : memref<4x200x128xf32, #tpu.memory_space<vmem>> -> memref<1x40x128xf32, #tpu.memory_space<vmem>>
      %dma_wait3A_645 = tpu.memref_squeeze %dma_wait3A_644 : memref<1x40x128xf32, #tpu.memory_space<vmem>> -> memref<40x128xf32, #tpu.memory_space<vmem>>
      %dma_wait3A_646 = tpu.memref_slice %arg6[%add3A_639] : memref<6400xi32, #tpu.memory_space<vmem>> -> memref<40xi32, #tpu.memory_space<vmem>>
      %dma_wait3A_647 = arith.constant 0 : i32
      %dma_wait3A_648 = arith.constant 0 : i32
      %dma_wait3A_649 = tpu.memref_slice %arg3[%dma_wait3A_647, %dma_wait3A_648] : memref<1000000x128xf32, #tpu.memory_space<hbm>> -> memref<1000000x128xf32, #tpu.memory_space<hbm>>
      %dma_wait3A_650 = tpu.memref_slice %arg10[%dma_wait3A_641] : memref<4x!tpu.dma_semaphore, #tpu.memory_space<semaphore_mem>> -> memref<1x!tpu.dma_semaphore, #tpu.memory_space<semaphore_mem>>
      %dma_wait3A_651 = tpu.memref_squeeze %dma_wait3A_650 : memref<1x!tpu.dma_semaphore, #tpu.memory_space<semaphore_mem>> -> memref<!tpu.dma_semaphore, #tpu.memory_space<semaphore_mem>>
      tpu.wait_indirect_dma semaphore(%dma_wait3A_651 : memref<!tpu.dma_semaphore, #tpu.memory_space<semaphore_mem>>) src(%dma_wait3A_649 : memref<1000000x128xf32, #tpu.memory_space<hbm>>) dst(%dma_wait3A_645 : memref<40x128xf32, #tpu.memory_space<vmem>>)
      %add3A_652 = arith.addi %mul3A_8, %add3A_571 : i32
      %dma_start3A_653 = arith.constant 0 : i32
      %dma_start3A_654 = arith.constant 0 : i32
      %dma_start3A_655 = arith.constant 0 : i32
      %dma_start3A_656 = arith.constant 0 : i32
      %dma_start3A_657 = tpu.memref_slice %arg7[%dma_start3A_653, %dma_start3A_655, %dma_start3A_656] : memref<4x200x128xf32, #tpu.memory_space<vmem>> -> memref<1x200x128xf32, #tpu.memory_space<vmem>>
      %dma_start3A_658 = tpu.memref_squeeze %dma_start3A_657 : memref<1x200x128xf32, #tpu.memory_space<vmem>> -> memref<200x128xf32, #tpu.memory_space<vmem>>
      %dma_start3A_659 = arith.constant 0 : i32
      %dma_start3A_660 = arith.constant 0 : i32
      %dma_start3A_661 = tpu.memref_slice %arg5[%add3A_652, %dma_start3A_659, %dma_start3A_660] : memref<1024x200x128xf32, #tpu.memory_space<hbm>> -> memref<1x200x128xf32, #tpu.memory_space<hbm>>
      %dma_start3A_662 = tpu.memref_squeeze %dma_start3A_661 : memref<1x200x128xf32, #tpu.memory_space<hbm>> -> memref<200x128xf32, #tpu.memory_space<hbm>>
      %dma_start3A_663 = tpu.memref_slice %arg11[%dma_start3A_654] : memref<4x!tpu.dma_semaphore, #tpu.memory_space<semaphore_mem>> -> memref<1x!tpu.dma_semaphore, #tpu.memory_space<semaphore_mem>>
      %dma_start3A_664 = tpu.memref_squeeze %dma_start3A_663 : memref<1x!tpu.dma_semaphore, #tpu.memory_space<semaphore_mem>> -> memref<!tpu.dma_semaphore, #tpu.memory_space<semaphore_mem>>
      %dma_start3A_665 = arith.constant 0 : i32
      %dma_start3A_666 = arith.constant 0 : i32
      %dma_start3A_667 = tpu.memref_slice %arg5[%add3A_652, %dma_start3A_665, %dma_start3A_666] : memref<1024x200x128xf32, #tpu.memory_space<hbm>> -> memref<1x200x128xf32, #tpu.memory_space<hbm>>
      %dma_start3A_668 = tpu.memref_squeeze %dma_start3A_667 : memref<1x200x128xf32, #tpu.memory_space<hbm>> -> memref<200x128xf32, #tpu.memory_space<hbm>>
      %dma_start3A_669 = arith.constant 0 : i32
      %dma_start3A_670 = arith.constant 0 : i32
      %dma_start3A_671 = tpu.memref_slice %arg7[%dma_start3A_653, %dma_start3A_669, %dma_start3A_670] : memref<4x200x128xf32, #tpu.memory_space<vmem>> -> memref<1x200x128xf32, #tpu.memory_space<vmem>>
      %dma_start3A_672 = tpu.memref_squeeze %dma_start3A_671 : memref<1x200x128xf32, #tpu.memory_space<vmem>> -> memref<200x128xf32, #tpu.memory_space<vmem>>
      tpu.enqueue_dma source(%dma_start3A_672 : memref<200x128xf32, #tpu.memory_space<vmem>>) target(%dma_start3A_668 : memref<200x128xf32, #tpu.memory_space<hbm>>) target_semaphore(%dma_start3A_664 : memref<!tpu.dma_semaphore, #tpu.memory_space<semaphore_mem>>)
      %mul3A_673 = arith.constant 4 : i32
      %mul3A_674 = arith.muli %scan3A_101, %mul3A_673 : i32
      %add3A_675 = arith.constant 1 : i32
      %add3A_676 = arith.addi %mul3A_674, %add3A_675 : i32
      %mul3A_677 = arith.constant 200 : i32
      %mul3A_678 = arith.muli %add3A_676, %mul3A_677 : i32
      %add3A_679 = arith.constant 0 : i32
      %add3A_680 = arith.addi %mul3A_678, %add3A_679 : i32
      %dma_wait3A_681 = arith.constant 1 : i32
      %dma_wait3A_682 = arith.constant 1 : i32
      %dma_wait3A_683 = arith.constant 0 : i32
      %dma_wait3A_684 = arith.constant 0 : i32
      %dma_wait3A_685 = tpu.memref_slice %arg7[%dma_wait3A_681, %dma_wait3A_683, %dma_wait3A_684] : memref<4x200x128xf32, #tpu.memory_space<vmem>> -> memref<1x40x128xf32, #tpu.memory_space<vmem>>
      %dma_wait3A_686 = tpu.memref_squeeze %dma_wait3A_685 : memref<1x40x128xf32, #tpu.memory_space<vmem>> -> memref<40x128xf32, #tpu.memory_space<vmem>>
      %dma_wait3A_687 = tpu.memref_slice %arg6[%add3A_680] : memref<6400xi32, #tpu.memory_space<vmem>> -> memref<40xi32, #tpu.memory_space<vmem>>
      %dma_wait3A_688 = arith.constant 0 : i32
      %dma_wait3A_689 = arith.constant 0 : i32
      %dma_wait3A_690 = tpu.memref_slice %arg3[%dma_wait3A_688, %dma_wait3A_689] : memref<1000000x128xf32, #tpu.memory_space<hbm>> -> memref<1000000x128xf32, #tpu.memory_space<hbm>>
      %dma_wait3A_691 = tpu.memref_slice %arg10[%dma_wait3A_682] : memref<4x!tpu.dma_semaphore, #tpu.memory_space<semaphore_mem>> -> memref<1x!tpu.dma_semaphore, #tpu.memory_space<semaphore_mem>>
      %dma_wait3A_692 = tpu.memref_squeeze %dma_wait3A_691 : memref<1x!tpu.dma_semaphore, #tpu.memory_space<semaphore_mem>> -> memref<!tpu.dma_semaphore, #tpu.memory_space<semaphore_mem>>
      tpu.wait_indirect_dma semaphore(%dma_wait3A_692 : memref<!tpu.dma_semaphore, #tpu.memory_space<semaphore_mem>>) src(%dma_wait3A_690 : memref<1000000x128xf32, #tpu.memory_space<hbm>>) dst(%dma_wait3A_686 : memref<40x128xf32, #tpu.memory_space<vmem>>)
      %mul3A_693 = arith.constant 200 : i32
      %mul3A_694 = arith.muli %add3A_676, %mul3A_693 : i32
      %add3A_695 = arith.constant 40 : i32
      %add3A_696 = arith.addi %mul3A_694, %add3A_695 : i32
      %dma_wait3A_697 = arith.constant 1 : i32
      %dma_wait3A_698 = arith.constant 1 : i32
      %dma_wait3A_699 = arith.constant 40 : i32
      %dma_wait3A_700 = arith.constant 0 : i32
      %dma_wait3A_701 = tpu.memref_slice %arg7[%dma_wait3A_697, %dma_wait3A_699, %dma_wait3A_700] : memref<4x200x128xf32, #tpu.memory_space<vmem>> -> memref<1x40x128xf32, #tpu.memory_space<vmem>>
      %dma_wait3A_702 = tpu.memref_squeeze %dma_wait3A_701 : memref<1x40x128xf32, #tpu.memory_space<vmem>> -> memref<40x128xf32, #tpu.memory_space<vmem>>
      %dma_wait3A_703 = tpu.memref_slice %arg6[%add3A_696] : memref<6400xi32, #tpu.memory_space<vmem>> -> memref<40xi32, #tpu.memory_space<vmem>>
      %dma_wait3A_704 = arith.constant 0 : i32
      %dma_wait3A_705 = arith.constant 0 : i32
      %dma_wait3A_706 = tpu.memref_slice %arg3[%dma_wait3A_704, %dma_wait3A_705] : memref<1000000x128xf32, #tpu.memory_space<hbm>> -> memref<1000000x128xf32, #tpu.memory_space<hbm>>
      %dma_wait3A_707 = tpu.memref_slice %arg10[%dma_wait3A_698] : memref<4x!tpu.dma_semaphore, #tpu.memory_space<semaphore_mem>> -> memref<1x!tpu.dma_semaphore, #tpu.memory_space<semaphore_mem>>
      %dma_wait3A_708 = tpu.memref_squeeze %dma_wait3A_707 : memref<1x!tpu.dma_semaphore, #tpu.memory_space<semaphore_mem>> -> memref<!tpu.dma_semaphore, #tpu.memory_space<semaphore_mem>>
      tpu.wait_indirect_dma semaphore(%dma_wait3A_708 : memref<!tpu.dma_semaphore, #tpu.memory_space<semaphore_mem>>) src(%dma_wait3A_706 : memref<1000000x128xf32, #tpu.memory_space<hbm>>) dst(%dma_wait3A_702 : memref<40x128xf32, #tpu.memory_space<vmem>>)
      %mul3A_709 = arith.constant 200 : i32
      %mul3A_710 = arith.muli %add3A_676, %mul3A_709 : i32
      %add3A_711 = arith.constant 80 : i32
      %add3A_712 = arith.addi %mul3A_710, %add3A_711 : i32
      %dma_wait3A_713 = arith.constant 1 : i32
      %dma_wait3A_714 = arith.constant 1 : i32
      %dma_wait3A_715 = arith.constant 80 : i32
      %dma_wait3A_716 = arith.constant 0 : i32
      %dma_wait3A_717 = tpu.memref_slice %arg7[%dma_wait3A_713, %dma_wait3A_715, %dma_wait3A_716] : memref<4x200x128xf32, #tpu.memory_space<vmem>> -> memref<1x40x128xf32, #tpu.memory_space<vmem>>
      %dma_wait3A_718 = tpu.memref_squeeze %dma_wait3A_717 : memref<1x40x128xf32, #tpu.memory_space<vmem>> -> memref<40x128xf32, #tpu.memory_space<vmem>>
      %dma_wait3A_719 = tpu.memref_slice %arg6[%add3A_712] : memref<6400xi32, #tpu.memory_space<vmem>> -> memref<40xi32, #tpu.memory_space<vmem>>
      %dma_wait3A_720 = arith.constant 0 : i32
      %dma_wait3A_721 = arith.constant 0 : i32
      %dma_wait3A_722 = tpu.memref_slice %arg3[%dma_wait3A_720, %dma_wait3A_721] : memref<1000000x128xf32, #tpu.memory_space<hbm>> -> memref<1000000x128xf32, #tpu.memory_space<hbm>>
      %dma_wait3A_723 = tpu.memref_slice %arg10[%dma_wait3A_714] : memref<4x!tpu.dma_semaphore, #tpu.memory_space<semaphore_mem>> -> memref<1x!tpu.dma_semaphore, #tpu.memory_space<semaphore_mem>>
      %dma_wait3A_724 = tpu.memref_squeeze %dma_wait3A_723 : memref<1x!tpu.dma_semaphore, #tpu.memory_space<semaphore_mem>> -> memref<!tpu.dma_semaphore, #tpu.memory_space<semaphore_mem>>
      tpu.wait_indirect_dma semaphore(%dma_wait3A_724 : memref<!tpu.dma_semaphore, #tpu.memory_space<semaphore_mem>>) src(%dma_wait3A_722 : memref<1000000x128xf32, #tpu.memory_space<hbm>>) dst(%dma_wait3A_718 : memref<40x128xf32, #tpu.memory_space<vmem>>)
      %mul3A_725 = arith.constant 200 : i32
      %mul3A_726 = arith.muli %add3A_676, %mul3A_725 : i32
      %add3A_727 = arith.constant 120 : i32
      %add3A_728 = arith.addi %mul3A_726, %add3A_727 : i32
      %dma_wait3A_729 = arith.constant 1 : i32
      %dma_wait3A_730 = arith.constant 1 : i32
      %dma_wait3A_731 = arith.constant 120 : i32
      %dma_wait3A_732 = arith.constant 0 : i32
      %dma_wait3A_733 = tpu.memref_slice %arg7[%dma_wait3A_729, %dma_wait3A_731, %dma_wait3A_732] : memref<4x200x128xf32, #tpu.memory_space<vmem>> -> memref<1x40x128xf32, #tpu.memory_space<vmem>>
      %dma_wait3A_734 = tpu.memref_squeeze %dma_wait3A_733 : memref<1x40x128xf32, #tpu.memory_space<vmem>> -> memref<40x128xf32, #tpu.memory_space<vmem>>
      %dma_wait3A_735 = tpu.memref_slice %arg6[%add3A_728] : memref<6400xi32, #tpu.memory_space<vmem>> -> memref<40xi32, #tpu.memory_space<vmem>>
      %dma_wait3A_736 = arith.constant 0 : i32
      %dma_wait3A_737 = arith.constant 0 : i32
      %dma_wait3A_738 = tpu.memref_slice %arg3[%dma_wait3A_736, %dma_wait3A_737] : memref<1000000x128xf32, #tpu.memory_space<hbm>> -> memref<1000000x128xf32, #tpu.memory_space<hbm>>
      %dma_wait3A_739 = tpu.memref_slice %arg10[%dma_wait3A_730] : memref<4x!tpu.dma_semaphore, #tpu.memory_space<semaphore_mem>> -> memref<1x!tpu.dma_semaphore, #tpu.memory_space<semaphore_mem>>
      %dma_wait3A_740 = tpu.memref_squeeze %dma_wait3A_739 : memref<1x!tpu.dma_semaphore, #tpu.memory_space<semaphore_mem>> -> memref<!tpu.dma_semaphore, #tpu.memory_space<semaphore_mem>>
      tpu.wait_indirect_dma semaphore(%dma_wait3A_740 : memref<!tpu.dma_semaphore, #tpu.memory_space<semaphore_mem>>) src(%dma_wait3A_738 : memref<1000000x128xf32, #tpu.memory_space<hbm>>) dst(%dma_wait3A_734 : memref<40x128xf32, #tpu.memory_space<vmem>>)
      %mul3A_741 = arith.constant 200 : i32
      %mul3A_742 = arith.muli %add3A_676, %mul3A_741 : i32
      %add3A_743 = arith.constant 160 : i32
      %add3A_744 = arith.addi %mul3A_742, %add3A_743 : i32
      %dma_wait3A_745 = arith.constant 1 : i32
      %dma_wait3A_746 = arith.constant 1 : i32
      %dma_wait3A_747 = arith.constant 160 : i32
      %dma_wait3A_748 = arith.constant 0 : i32
      %dma_wait3A_749 = tpu.memref_slice %arg7[%dma_wait3A_745, %dma_wait3A_747, %dma_wait3A_748] : memref<4x200x128xf32, #tpu.memory_space<vmem>> -> memref<1x40x128xf32, #tpu.memory_space<vmem>>
      %dma_wait3A_750 = tpu.memref_squeeze %dma_wait3A_749 : memref<1x40x128xf32, #tpu.memory_space<vmem>> -> memref<40x128xf32, #tpu.memory_space<vmem>>
      %dma_wait3A_751 = tpu.memref_slice %arg6[%add3A_744] : memref<6400xi32, #tpu.memory_space<vmem>> -> memref<40xi32, #tpu.memory_space<vmem>>
      %dma_wait3A_752 = arith.constant 0 : i32
      %dma_wait3A_753 = arith.constant 0 : i32
      %dma_wait3A_754 = tpu.memref_slice %arg3[%dma_wait3A_752, %dma_wait3A_753] : memref<1000000x128xf32, #tpu.memory_space<hbm>> -> memref<1000000x128xf32, #tpu.memory_space<hbm>>
      %dma_wait3A_755 = tpu.memref_slice %arg10[%dma_wait3A_746] : memref<4x!tpu.dma_semaphore, #tpu.memory_space<semaphore_mem>> -> memref<1x!tpu.dma_semaphore, #tpu.memory_space<semaphore_mem>>
      %dma_wait3A_756 = tpu.memref_squeeze %dma_wait3A_755 : memref<1x!tpu.dma_semaphore, #tpu.memory_space<semaphore_mem>> -> memref<!tpu.dma_semaphore, #tpu.memory_space<semaphore_mem>>
      tpu.wait_indirect_dma semaphore(%dma_wait3A_756 : memref<!tpu.dma_semaphore, #tpu.memory_space<semaphore_mem>>) src(%dma_wait3A_754 : memref<1000000x128xf32, #tpu.memory_space<hbm>>) dst(%dma_wait3A_750 : memref<40x128xf32, #tpu.memory_space<vmem>>)
      %add3A_757 = arith.addi %mul3A_8, %add3A_676 : i32
      %dma_start3A_758 = arith.constant 1 : i32
      %dma_start3A_759 = arith.constant 1 : i32
      %dma_start3A_760 = arith.constant 0 : i32
      %dma_start3A_761 = arith.constant 0 : i32
      %dma_start3A_762 = tpu.memref_slice %arg7[%dma_start3A_758, %dma_start3A_760, %dma_start3A_761] : memref<4x200x128xf32, #tpu.memory_space<vmem>> -> memref<1x200x128xf32, #tpu.memory_space<vmem>>
      %dma_start3A_763 = tpu.memref_squeeze %dma_start3A_762 : memref<1x200x128xf32, #tpu.memory_space<vmem>> -> memref<200x128xf32, #tpu.memory_space<vmem>>
      %dma_start3A_764 = arith.constant 0 : i32
      %dma_start3A_765 = arith.constant 0 : i32
      %dma_start3A_766 = tpu.memref_slice %arg5[%add3A_757, %dma_start3A_764, %dma_start3A_765] : memref<1024x200x128xf32, #tpu.memory_space<hbm>> -> memref<1x200x128xf32, #tpu.memory_space<hbm>>
      %dma_start3A_767 = tpu.memref_squeeze %dma_start3A_766 : memref<1x200x128xf32, #tpu.memory_space<hbm>> -> memref<200x128xf32, #tpu.memory_space<hbm>>
      %dma_start3A_768 = tpu.memref_slice %arg11[%dma_start3A_759] : memref<4x!tpu.dma_semaphore, #tpu.memory_space<semaphore_mem>> -> memref<1x!tpu.dma_semaphore, #tpu.memory_space<semaphore_mem>>
      %dma_start3A_769 = tpu.memref_squeeze %dma_start3A_768 : memref<1x!tpu.dma_semaphore, #tpu.memory_space<semaphore_mem>> -> memref<!tpu.dma_semaphore, #tpu.memory_space<semaphore_mem>>
      %dma_start3A_770 = arith.constant 0 : i32
      %dma_start3A_771 = arith.constant 0 : i32
      %dma_start3A_772 = tpu.memref_slice %arg5[%add3A_757, %dma_start3A_770, %dma_start3A_771] : memref<1024x200x128xf32, #tpu.memory_space<hbm>> -> memref<1x200x128xf32, #tpu.memory_space<hbm>>
      %dma_start3A_773 = tpu.memref_squeeze %dma_start3A_772 : memref<1x200x128xf32, #tpu.memory_space<hbm>> -> memref<200x128xf32, #tpu.memory_space<hbm>>
      %dma_start3A_774 = arith.constant 0 : i32
      %dma_start3A_775 = arith.constant 0 : i32
      %dma_start3A_776 = tpu.memref_slice %arg7[%dma_start3A_758, %dma_start3A_774, %dma_start3A_775] : memref<4x200x128xf32, #tpu.memory_space<vmem>> -> memref<1x200x128xf32, #tpu.memory_space<vmem>>
      %dma_start3A_777 = tpu.memref_squeeze %dma_start3A_776 : memref<1x200x128xf32, #tpu.memory_space<vmem>> -> memref<200x128xf32, #tpu.memory_space<vmem>>
      tpu.enqueue_dma source(%dma_start3A_777 : memref<200x128xf32, #tpu.memory_space<vmem>>) target(%dma_start3A_773 : memref<200x128xf32, #tpu.memory_space<hbm>>) target_semaphore(%dma_start3A_769 : memref<!tpu.dma_semaphore, #tpu.memory_space<semaphore_mem>>)
      %mul3A_778 = arith.constant 4 : i32
      %mul3A_779 = arith.muli %scan3A_101, %mul3A_778 : i32
      %add3A_780 = arith.constant 2 : i32
      %add3A_781 = arith.addi %mul3A_779, %add3A_780 : i32
      %mul3A_782 = arith.constant 200 : i32
      %mul3A_783 = arith.muli %add3A_781, %mul3A_782 : i32
      %add3A_784 = arith.constant 0 : i32
      %add3A_785 = arith.addi %mul3A_783, %add3A_784 : i32
      %dma_wait3A_786 = arith.constant 2 : i32
      %dma_wait3A_787 = arith.constant 2 : i32
      %dma_wait3A_788 = arith.constant 0 : i32
      %dma_wait3A_789 = arith.constant 0 : i32
      %dma_wait3A_790 = tpu.memref_slice %arg7[%dma_wait3A_786, %dma_wait3A_788, %dma_wait3A_789] : memref<4x200x128xf32, #tpu.memory_space<vmem>> -> memref<1x40x128xf32, #tpu.memory_space<vmem>>
      %dma_wait3A_791 = tpu.memref_squeeze %dma_wait3A_790 : memref<1x40x128xf32, #tpu.memory_space<vmem>> -> memref<40x128xf32, #tpu.memory_space<vmem>>
      %dma_wait3A_792 = tpu.memref_slice %arg6[%add3A_785] : memref<6400xi32, #tpu.memory_space<vmem>> -> memref<40xi32, #tpu.memory_space<vmem>>
      %dma_wait3A_793 = arith.constant 0 : i32
      %dma_wait3A_794 = arith.constant 0 : i32
      %dma_wait3A_795 = tpu.memref_slice %arg3[%dma_wait3A_793, %dma_wait3A_794] : memref<1000000x128xf32, #tpu.memory_space<hbm>> -> memref<1000000x128xf32, #tpu.memory_space<hbm>>
      %dma_wait3A_796 = tpu.memref_slice %arg10[%dma_wait3A_787] : memref<4x!tpu.dma_semaphore, #tpu.memory_space<semaphore_mem>> -> memref<1x!tpu.dma_semaphore, #tpu.memory_space<semaphore_mem>>
      %dma_wait3A_797 = tpu.memref_squeeze %dma_wait3A_796 : memref<1x!tpu.dma_semaphore, #tpu.memory_space<semaphore_mem>> -> memref<!tpu.dma_semaphore, #tpu.memory_space<semaphore_mem>>
      tpu.wait_indirect_dma semaphore(%dma_wait3A_797 : memref<!tpu.dma_semaphore, #tpu.memory_space<semaphore_mem>>) src(%dma_wait3A_795 : memref<1000000x128xf32, #tpu.memory_space<hbm>>) dst(%dma_wait3A_791 : memref<40x128xf32, #tpu.memory_space<vmem>>)
      %mul3A_798 = arith.constant 200 : i32
      %mul3A_799 = arith.muli %add3A_781, %mul3A_798 : i32
      %add3A_800 = arith.constant 40 : i32
      %add3A_801 = arith.addi %mul3A_799, %add3A_800 : i32
      %dma_wait3A_802 = arith.constant 2 : i32
      %dma_wait3A_803 = arith.constant 2 : i32
      %dma_wait3A_804 = arith.constant 40 : i32
      %dma_wait3A_805 = arith.constant 0 : i32
      %dma_wait3A_806 = tpu.memref_slice %arg7[%dma_wait3A_802, %dma_wait3A_804, %dma_wait3A_805] : memref<4x200x128xf32, #tpu.memory_space<vmem>> -> memref<1x40x128xf32, #tpu.memory_space<vmem>>
      %dma_wait3A_807 = tpu.memref_squeeze %dma_wait3A_806 : memref<1x40x128xf32, #tpu.memory_space<vmem>> -> memref<40x128xf32, #tpu.memory_space<vmem>>
      %dma_wait3A_808 = tpu.memref_slice %arg6[%add3A_801] : memref<6400xi32, #tpu.memory_space<vmem>> -> memref<40xi32, #tpu.memory_space<vmem>>
      %dma_wait3A_809 = arith.constant 0 : i32
      %dma_wait3A_810 = arith.constant 0 : i32
      %dma_wait3A_811 = tpu.memref_slice %arg3[%dma_wait3A_809, %dma_wait3A_810] : memref<1000000x128xf32, #tpu.memory_space<hbm>> -> memref<1000000x128xf32, #tpu.memory_space<hbm>>
      %dma_wait3A_812 = tpu.memref_slice %arg10[%dma_wait3A_803] : memref<4x!tpu.dma_semaphore, #tpu.memory_space<semaphore_mem>> -> memref<1x!tpu.dma_semaphore, #tpu.memory_space<semaphore_mem>>
      %dma_wait3A_813 = tpu.memref_squeeze %dma_wait3A_812 : memref<1x!tpu.dma_semaphore, #tpu.memory_space<semaphore_mem>> -> memref<!tpu.dma_semaphore, #tpu.memory_space<semaphore_mem>>
      tpu.wait_indirect_dma semaphore(%dma_wait3A_813 : memref<!tpu.dma_semaphore, #tpu.memory_space<semaphore_mem>>) src(%dma_wait3A_811 : memref<1000000x128xf32, #tpu.memory_space<hbm>>) dst(%dma_wait3A_807 : memref<40x128xf32, #tpu.memory_space<vmem>>)
      %mul3A_814 = arith.constant 200 : i32
      %mul3A_815 = arith.muli %add3A_781, %mul3A_814 : i32
      %add3A_816 = arith.constant 80 : i32
      %add3A_817 = arith.addi %mul3A_815, %add3A_816 : i32
      %dma_wait3A_818 = arith.constant 2 : i32
      %dma_wait3A_819 = arith.constant 2 : i32
      %dma_wait3A_820 = arith.constant 80 : i32
      %dma_wait3A_821 = arith.constant 0 : i32
      %dma_wait3A_822 = tpu.memref_slice %arg7[%dma_wait3A_818, %dma_wait3A_820, %dma_wait3A_821] : memref<4x200x128xf32, #tpu.memory_space<vmem>> -> memref<1x40x128xf32, #tpu.memory_space<vmem>>
      %dma_wait3A_823 = tpu.memref_squeeze %dma_wait3A_822 : memref<1x40x128xf32, #tpu.memory_space<vmem>> -> memref<40x128xf32, #tpu.memory_space<vmem>>
      %dma_wait3A_824 = tpu.memref_slice %arg6[%add3A_817] : memref<6400xi32, #tpu.memory_space<vmem>> -> memref<40xi32, #tpu.memory_space<vmem>>
      %dma_wait3A_825 = arith.constant 0 : i32
      %dma_wait3A_826 = arith.constant 0 : i32
      %dma_wait3A_827 = tpu.memref_slice %arg3[%dma_wait3A_825, %dma_wait3A_826] : memref<1000000x128xf32, #tpu.memory_space<hbm>> -> memref<1000000x128xf32, #tpu.memory_space<hbm>>
      %dma_wait3A_828 = tpu.memref_slice %arg10[%dma_wait3A_819] : memref<4x!tpu.dma_semaphore, #tpu.memory_space<semaphore_mem>> -> memref<1x!tpu.dma_semaphore, #tpu.memory_space<semaphore_mem>>
      %dma_wait3A_829 = tpu.memref_squeeze %dma_wait3A_828 : memref<1x!tpu.dma_semaphore, #tpu.memory_space<semaphore_mem>> -> memref<!tpu.dma_semaphore, #tpu.memory_space<semaphore_mem>>
      tpu.wait_indirect_dma semaphore(%dma_wait3A_829 : memref<!tpu.dma_semaphore, #tpu.memory_space<semaphore_mem>>) src(%dma_wait3A_827 : memref<1000000x128xf32, #tpu.memory_space<hbm>>) dst(%dma_wait3A_823 : memref<40x128xf32, #tpu.memory_space<vmem>>)
      %mul3A_830 = arith.constant 200 : i32
      %mul3A_831 = arith.muli %add3A_781, %mul3A_830 : i32
      %add3A_832 = arith.constant 120 : i32
      %add3A_833 = arith.addi %mul3A_831, %add3A_832 : i32
      %dma_wait3A_834 = arith.constant 2 : i32
      %dma_wait3A_835 = arith.constant 2 : i32
      %dma_wait3A_836 = arith.constant 120 : i32
      %dma_wait3A_837 = arith.constant 0 : i32
      %dma_wait3A_838 = tpu.memref_slice %arg7[%dma_wait3A_834, %dma_wait3A_836, %dma_wait3A_837] : memref<4x200x128xf32, #tpu.memory_space<vmem>> -> memref<1x40x128xf32, #tpu.memory_space<vmem>>
      %dma_wait3A_839 = tpu.memref_squeeze %dma_wait3A_838 : memref<1x40x128xf32, #tpu.memory_space<vmem>> -> memref<40x128xf32, #tpu.memory_space<vmem>>
      %dma_wait3A_840 = tpu.memref_slice %arg6[%add3A_833] : memref<6400xi32, #tpu.memory_space<vmem>> -> memref<40xi32, #tpu.memory_space<vmem>>
      %dma_wait3A_841 = arith.constant 0 : i32
      %dma_wait3A_842 = arith.constant 0 : i32
      %dma_wait3A_843 = tpu.memref_slice %arg3[%dma_wait3A_841, %dma_wait3A_842] : memref<1000000x128xf32, #tpu.memory_space<hbm>> -> memref<1000000x128xf32, #tpu.memory_space<hbm>>
      %dma_wait3A_844 = tpu.memref_slice %arg10[%dma_wait3A_835] : memref<4x!tpu.dma_semaphore, #tpu.memory_space<semaphore_mem>> -> memref<1x!tpu.dma_semaphore, #tpu.memory_space<semaphore_mem>>
      %dma_wait3A_845 = tpu.memref_squeeze %dma_wait3A_844 : memref<1x!tpu.dma_semaphore, #tpu.memory_space<semaphore_mem>> -> memref<!tpu.dma_semaphore, #tpu.memory_space<semaphore_mem>>
      tpu.wait_indirect_dma semaphore(%dma_wait3A_845 : memref<!tpu.dma_semaphore, #tpu.memory_space<semaphore_mem>>) src(%dma_wait3A_843 : memref<1000000x128xf32, #tpu.memory_space<hbm>>) dst(%dma_wait3A_839 : memref<40x128xf32, #tpu.memory_space<vmem>>)
      %mul3A_846 = arith.constant 200 : i32
      %mul3A_847 = arith.muli %add3A_781, %mul3A_846 : i32
      %add3A_848 = arith.constant 160 : i32
      %add3A_849 = arith.addi %mul3A_847, %add3A_848 : i32
      %dma_wait3A_850 = arith.constant 2 : i32
      %dma_wait3A_851 = arith.constant 2 : i32
      %dma_wait3A_852 = arith.constant 160 : i32
      %dma_wait3A_853 = arith.constant 0 : i32
      %dma_wait3A_854 = tpu.memref_slice %arg7[%dma_wait3A_850, %dma_wait3A_852, %dma_wait3A_853] : memref<4x200x128xf32, #tpu.memory_space<vmem>> -> memref<1x40x128xf32, #tpu.memory_space<vmem>>
      %dma_wait3A_855 = tpu.memref_squeeze %dma_wait3A_854 : memref<1x40x128xf32, #tpu.memory_space<vmem>> -> memref<40x128xf32, #tpu.memory_space<vmem>>
      %dma_wait3A_856 = tpu.memref_slice %arg6[%add3A_849] : memref<6400xi32, #tpu.memory_space<vmem>> -> memref<40xi32, #tpu.memory_space<vmem>>
      %dma_wait3A_857 = arith.constant 0 : i32
      %dma_wait3A_858 = arith.constant 0 : i32
      %dma_wait3A_859 = tpu.memref_slice %arg3[%dma_wait3A_857, %dma_wait3A_858] : memref<1000000x128xf32, #tpu.memory_space<hbm>> -> memref<1000000x128xf32, #tpu.memory_space<hbm>>
      %dma_wait3A_860 = tpu.memref_slice %arg10[%dma_wait3A_851] : memref<4x!tpu.dma_semaphore, #tpu.memory_space<semaphore_mem>> -> memref<1x!tpu.dma_semaphore, #tpu.memory_space<semaphore_mem>>
      %dma_wait3A_861 = tpu.memref_squeeze %dma_wait3A_860 : memref<1x!tpu.dma_semaphore, #tpu.memory_space<semaphore_mem>> -> memref<!tpu.dma_semaphore, #tpu.memory_space<semaphore_mem>>
      tpu.wait_indirect_dma semaphore(%dma_wait3A_861 : memref<!tpu.dma_semaphore, #tpu.memory_space<semaphore_mem>>) src(%dma_wait3A_859 : memref<1000000x128xf32, #tpu.memory_space<hbm>>) dst(%dma_wait3A_855 : memref<40x128xf32, #tpu.memory_space<vmem>>)
      %add3A_862 = arith.addi %mul3A_8, %add3A_781 : i32
      %dma_start3A_863 = arith.constant 2 : i32
      %dma_start3A_864 = arith.constant 2 : i32
      %dma_start3A_865 = arith.constant 0 : i32
      %dma_start3A_866 = arith.constant 0 : i32
      %dma_start3A_867 = tpu.memref_slice %arg7[%dma_start3A_863, %dma_start3A_865, %dma_start3A_866] : memref<4x200x128xf32, #tpu.memory_space<vmem>> -> memref<1x200x128xf32, #tpu.memory_space<vmem>>
      %dma_start3A_868 = tpu.memref_squeeze %dma_start3A_867 : memref<1x200x128xf32, #tpu.memory_space<vmem>> -> memref<200x128xf32, #tpu.memory_space<vmem>>
      %dma_start3A_869 = arith.constant 0 : i32
      %dma_start3A_870 = arith.constant 0 : i32
      %dma_start3A_871 = tpu.memref_slice %arg5[%add3A_862, %dma_start3A_869, %dma_start3A_870] : memref<1024x200x128xf32, #tpu.memory_space<hbm>> -> memref<1x200x128xf32, #tpu.memory_space<hbm>>
      %dma_start3A_872 = tpu.memref_squeeze %dma_start3A_871 : memref<1x200x128xf32, #tpu.memory_space<hbm>> -> memref<200x128xf32, #tpu.memory_space<hbm>>
      %dma_start3A_873 = tpu.memref_slice %arg11[%dma_start3A_864] : memref<4x!tpu.dma_semaphore, #tpu.memory_space<semaphore_mem>> -> memref<1x!tpu.dma_semaphore, #tpu.memory_space<semaphore_mem>>
      %dma_start3A_874 = tpu.memref_squeeze %dma_start3A_873 : memref<1x!tpu.dma_semaphore, #tpu.memory_space<semaphore_mem>> -> memref<!tpu.dma_semaphore, #tpu.memory_space<semaphore_mem>>
      %dma_start3A_875 = arith.constant 0 : i32
      %dma_start3A_876 = arith.constant 0 : i32
      %dma_start3A_877 = tpu.memref_slice %arg5[%add3A_862, %dma_start3A_875, %dma_start3A_876] : memref<1024x200x128xf32, #tpu.memory_space<hbm>> -> memref<1x200x128xf32, #tpu.memory_space<hbm>>
      %dma_start3A_878 = tpu.memref_squeeze %dma_start3A_877 : memref<1x200x128xf32, #tpu.memory_space<hbm>> -> memref<200x128xf32, #tpu.memory_space<hbm>>
      %dma_start3A_879 = arith.constant 0 : i32
      %dma_start3A_880 = arith.constant 0 : i32
      %dma_start3A_881 = tpu.memref_slice %arg7[%dma_start3A_863, %dma_start3A_879, %dma_start3A_880] : memref<4x200x128xf32, #tpu.memory_space<vmem>> -> memref<1x200x128xf32, #tpu.memory_space<vmem>>
      %dma_start3A_882 = tpu.memref_squeeze %dma_start3A_881 : memref<1x200x128xf32, #tpu.memory_space<vmem>> -> memref<200x128xf32, #tpu.memory_space<vmem>>
      tpu.enqueue_dma source(%dma_start3A_882 : memref<200x128xf32, #tpu.memory_space<vmem>>) target(%dma_start3A_878 : memref<200x128xf32, #tpu.memory_space<hbm>>) target_semaphore(%dma_start3A_874 : memref<!tpu.dma_semaphore, #tpu.memory_space<semaphore_mem>>)
      %mul3A_883 = arith.constant 4 : i32
      %mul3A_884 = arith.muli %scan3A_101, %mul3A_883 : i32
      %add3A_885 = arith.constant 3 : i32
      %add3A_886 = arith.addi %mul3A_884, %add3A_885 : i32
      %mul3A_887 = arith.constant 200 : i32
      %mul3A_888 = arith.muli %add3A_886, %mul3A_887 : i32
      %add3A_889 = arith.constant 0 : i32
      %add3A_890 = arith.addi %mul3A_888, %add3A_889 : i32
      %dma_wait3A_891 = arith.constant 3 : i32
      %dma_wait3A_892 = arith.constant 3 : i32
      %dma_wait3A_893 = arith.constant 0 : i32
      %dma_wait3A_894 = arith.constant 0 : i32
      %dma_wait3A_895 = tpu.memref_slice %arg7[%dma_wait3A_891, %dma_wait3A_893, %dma_wait3A_894] : memref<4x200x128xf32, #tpu.memory_space<vmem>> -> memref<1x40x128xf32, #tpu.memory_space<vmem>>
      %dma_wait3A_896 = tpu.memref_squeeze %dma_wait3A_895 : memref<1x40x128xf32, #tpu.memory_space<vmem>> -> memref<40x128xf32, #tpu.memory_space<vmem>>
      %dma_wait3A_897 = tpu.memref_slice %arg6[%add3A_890] : memref<6400xi32, #tpu.memory_space<vmem>> -> memref<40xi32, #tpu.memory_space<vmem>>
      %dma_wait3A_898 = arith.constant 0 : i32
      %dma_wait3A_899 = arith.constant 0 : i32
      %dma_wait3A_900 = tpu.memref_slice %arg3[%dma_wait3A_898, %dma_wait3A_899] : memref<1000000x128xf32, #tpu.memory_space<hbm>> -> memref<1000000x128xf32, #tpu.memory_space<hbm>>
      %dma_wait3A_901 = tpu.memref_slice %arg10[%dma_wait3A_892] : memref<4x!tpu.dma_semaphore, #tpu.memory_space<semaphore_mem>> -> memref<1x!tpu.dma_semaphore, #tpu.memory_space<semaphore_mem>>
      %dma_wait3A_902 = tpu.memref_squeeze %dma_wait3A_901 : memref<1x!tpu.dma_semaphore, #tpu.memory_space<semaphore_mem>> -> memref<!tpu.dma_semaphore, #tpu.memory_space<semaphore_mem>>
      tpu.wait_indirect_dma semaphore(%dma_wait3A_902 : memref<!tpu.dma_semaphore, #tpu.memory_space<semaphore_mem>>) src(%dma_wait3A_900 : memref<1000000x128xf32, #tpu.memory_space<hbm>>) dst(%dma_wait3A_896 : memref<40x128xf32, #tpu.memory_space<vmem>>)
      %mul3A_903 = arith.constant 200 : i32
      %mul3A_904 = arith.muli %add3A_886, %mul3A_903 : i32
      %add3A_905 = arith.constant 40 : i32
      %add3A_906 = arith.addi %mul3A_904, %add3A_905 : i32
      %dma_wait3A_907 = arith.constant 3 : i32
      %dma_wait3A_908 = arith.constant 3 : i32
      %dma_wait3A_909 = arith.constant 40 : i32
      %dma_wait3A_910 = arith.constant 0 : i32
      %dma_wait3A_911 = tpu.memref_slice %arg7[%dma_wait3A_907, %dma_wait3A_909, %dma_wait3A_910] : memref<4x200x128xf32, #tpu.memory_space<vmem>> -> memref<1x40x128xf32, #tpu.memory_space<vmem>>
      %dma_wait3A_912 = tpu.memref_squeeze %dma_wait3A_911 : memref<1x40x128xf32, #tpu.memory_space<vmem>> -> memref<40x128xf32, #tpu.memory_space<vmem>>
      %dma_wait3A_913 = tpu.memref_slice %arg6[%add3A_906] : memref<6400xi32, #tpu.memory_space<vmem>> -> memref<40xi32, #tpu.memory_space<vmem>>
      %dma_wait3A_914 = arith.constant 0 : i32
      %dma_wait3A_915 = arith.constant 0 : i32
      %dma_wait3A_916 = tpu.memref_slice %arg3[%dma_wait3A_914, %dma_wait3A_915] : memref<1000000x128xf32, #tpu.memory_space<hbm>> -> memref<1000000x128xf32, #tpu.memory_space<hbm>>
      %dma_wait3A_917 = tpu.memref_slice %arg10[%dma_wait3A_908] : memref<4x!tpu.dma_semaphore, #tpu.memory_space<semaphore_mem>> -> memref<1x!tpu.dma_semaphore, #tpu.memory_space<semaphore_mem>>
      %dma_wait3A_918 = tpu.memref_squeeze %dma_wait3A_917 : memref<1x!tpu.dma_semaphore, #tpu.memory_space<semaphore_mem>> -> memref<!tpu.dma_semaphore, #tpu.memory_space<semaphore_mem>>
      tpu.wait_indirect_dma semaphore(%dma_wait3A_918 : memref<!tpu.dma_semaphore, #tpu.memory_space<semaphore_mem>>) src(%dma_wait3A_916 : memref<1000000x128xf32, #tpu.memory_space<hbm>>) dst(%dma_wait3A_912 : memref<40x128xf32, #tpu.memory_space<vmem>>)
      %mul3A_919 = arith.constant 200 : i32
      %mul3A_920 = arith.muli %add3A_886, %mul3A_919 : i32
      %add3A_921 = arith.constant 80 : i32
      %add3A_922 = arith.addi %mul3A_920, %add3A_921 : i32
      %dma_wait3A_923 = arith.constant 3 : i32
      %dma_wait3A_924 = arith.constant 3 : i32
      %dma_wait3A_925 = arith.constant 80 : i32
      %dma_wait3A_926 = arith.constant 0 : i32
      %dma_wait3A_927 = tpu.memref_slice %arg7[%dma_wait3A_923, %dma_wait3A_925, %dma_wait3A_926] : memref<4x200x128xf32, #tpu.memory_space<vmem>> -> memref<1x40x128xf32, #tpu.memory_space<vmem>>
      %dma_wait3A_928 = tpu.memref_squeeze %dma_wait3A_927 : memref<1x40x128xf32, #tpu.memory_space<vmem>> -> memref<40x128xf32, #tpu.memory_space<vmem>>
      %dma_wait3A_929 = tpu.memref_slice %arg6[%add3A_922] : memref<6400xi32, #tpu.memory_space<vmem>> -> memref<40xi32, #tpu.memory_space<vmem>>
      %dma_wait3A_930 = arith.constant 0 : i32
      %dma_wait3A_931 = arith.constant 0 : i32
      %dma_wait3A_932 = tpu.memref_slice %arg3[%dma_wait3A_930, %dma_wait3A_931] : memref<1000000x128xf32, #tpu.memory_space<hbm>> -> memref<1000000x128xf32, #tpu.memory_space<hbm>>
      %dma_wait3A_933 = tpu.memref_slice %arg10[%dma_wait3A_924] : memref<4x!tpu.dma_semaphore, #tpu.memory_space<semaphore_mem>> -> memref<1x!tpu.dma_semaphore, #tpu.memory_space<semaphore_mem>>
      %dma_wait3A_934 = tpu.memref_squeeze %dma_wait3A_933 : memref<1x!tpu.dma_semaphore, #tpu.memory_space<semaphore_mem>> -> memref<!tpu.dma_semaphore, #tpu.memory_space<semaphore_mem>>
      tpu.wait_indirect_dma semaphore(%dma_wait3A_934 : memref<!tpu.dma_semaphore, #tpu.memory_space<semaphore_mem>>) src(%dma_wait3A_932 : memref<1000000x128xf32, #tpu.memory_space<hbm>>) dst(%dma_wait3A_928 : memref<40x128xf32, #tpu.memory_space<vmem>>)
      %mul3A_935 = arith.constant 200 : i32
      %mul3A_936 = arith.muli %add3A_886, %mul3A_935 : i32
      %add3A_937 = arith.constant 120 : i32
      %add3A_938 = arith.addi %mul3A_936, %add3A_937 : i32
      %dma_wait3A_939 = arith.constant 3 : i32
      %dma_wait3A_940 = arith.constant 3 : i32
      %dma_wait3A_941 = arith.constant 120 : i32
      %dma_wait3A_942 = arith.constant 0 : i32
      %dma_wait3A_943 = tpu.memref_slice %arg7[%dma_wait3A_939, %dma_wait3A_941, %dma_wait3A_942] : memref<4x200x128xf32, #tpu.memory_space<vmem>> -> memref<1x40x128xf32, #tpu.memory_space<vmem>>
      %dma_wait3A_944 = tpu.memref_squeeze %dma_wait3A_943 : memref<1x40x128xf32, #tpu.memory_space<vmem>> -> memref<40x128xf32, #tpu.memory_space<vmem>>
      %dma_wait3A_945 = tpu.memref_slice %arg6[%add3A_938] : memref<6400xi32, #tpu.memory_space<vmem>> -> memref<40xi32, #tpu.memory_space<vmem>>
      %dma_wait3A_946 = arith.constant 0 : i32
      %dma_wait3A_947 = arith.constant 0 : i32
      %dma_wait3A_948 = tpu.memref_slice %arg3[%dma_wait3A_946, %dma_wait3A_947] : memref<1000000x128xf32, #tpu.memory_space<hbm>> -> memref<1000000x128xf32, #tpu.memory_space<hbm>>
      %dma_wait3A_949 = tpu.memref_slice %arg10[%dma_wait3A_940] : memref<4x!tpu.dma_semaphore, #tpu.memory_space<semaphore_mem>> -> memref<1x!tpu.dma_semaphore, #tpu.memory_space<semaphore_mem>>
      %dma_wait3A_950 = tpu.memref_squeeze %dma_wait3A_949 : memref<1x!tpu.dma_semaphore, #tpu.memory_space<semaphore_mem>> -> memref<!tpu.dma_semaphore, #tpu.memory_space<semaphore_mem>>
      tpu.wait_indirect_dma semaphore(%dma_wait3A_950 : memref<!tpu.dma_semaphore, #tpu.memory_space<semaphore_mem>>) src(%dma_wait3A_948 : memref<1000000x128xf32, #tpu.memory_space<hbm>>) dst(%dma_wait3A_944 : memref<40x128xf32, #tpu.memory_space<vmem>>)
      %mul3A_951 = arith.constant 200 : i32
      %mul3A_952 = arith.muli %add3A_886, %mul3A_951 : i32
      %add3A_953 = arith.constant 160 : i32
      %add3A_954 = arith.addi %mul3A_952, %add3A_953 : i32
      %dma_wait3A_955 = arith.constant 3 : i32
      %dma_wait3A_956 = arith.constant 3 : i32
      %dma_wait3A_957 = arith.constant 160 : i32
      %dma_wait3A_958 = arith.constant 0 : i32
      %dma_wait3A_959 = tpu.memref_slice %arg7[%dma_wait3A_955, %dma_wait3A_957, %dma_wait3A_958] : memref<4x200x128xf32, #tpu.memory_space<vmem>> -> memref<1x40x128xf32, #tpu.memory_space<vmem>>
      %dma_wait3A_960 = tpu.memref_squeeze %dma_wait3A_959 : memref<1x40x128xf32, #tpu.memory_space<vmem>> -> memref<40x128xf32, #tpu.memory_space<vmem>>
      %dma_wait3A_961 = tpu.memref_slice %arg6[%add3A_954] : memref<6400xi32, #tpu.memory_space<vmem>> -> memref<40xi32, #tpu.memory_space<vmem>>
      %dma_wait3A_962 = arith.constant 0 : i32
      %dma_wait3A_963 = arith.constant 0 : i32
      %dma_wait3A_964 = tpu.memref_slice %arg3[%dma_wait3A_962, %dma_wait3A_963] : memref<1000000x128xf32, #tpu.memory_space<hbm>> -> memref<1000000x128xf32, #tpu.memory_space<hbm>>
      %dma_wait3A_965 = tpu.memref_slice %arg10[%dma_wait3A_956] : memref<4x!tpu.dma_semaphore, #tpu.memory_space<semaphore_mem>> -> memref<1x!tpu.dma_semaphore, #tpu.memory_space<semaphore_mem>>
      %dma_wait3A_966 = tpu.memref_squeeze %dma_wait3A_965 : memref<1x!tpu.dma_semaphore, #tpu.memory_space<semaphore_mem>> -> memref<!tpu.dma_semaphore, #tpu.memory_space<semaphore_mem>>
      tpu.wait_indirect_dma semaphore(%dma_wait3A_966 : memref<!tpu.dma_semaphore, #tpu.memory_space<semaphore_mem>>) src(%dma_wait3A_964 : memref<1000000x128xf32, #tpu.memory_space<hbm>>) dst(%dma_wait3A_960 : memref<40x128xf32, #tpu.memory_space<vmem>>)
      %add3A_967 = arith.addi %mul3A_8, %add3A_886 : i32
      %dma_start3A_968 = arith.constant 3 : i32
      %dma_start3A_969 = arith.constant 3 : i32
      %dma_start3A_970 = arith.constant 0 : i32
      %dma_start3A_971 = arith.constant 0 : i32
      %dma_start3A_972 = tpu.memref_slice %arg7[%dma_start3A_968, %dma_start3A_970, %dma_start3A_971] : memref<4x200x128xf32, #tpu.memory_space<vmem>> -> memref<1x200x128xf32, #tpu.memory_space<vmem>>
      %dma_start3A_973 = tpu.memref_squeeze %dma_start3A_972 : memref<1x200x128xf32, #tpu.memory_space<vmem>> -> memref<200x128xf32, #tpu.memory_space<vmem>>
      %dma_start3A_974 = arith.constant 0 : i32
      %dma_start3A_975 = arith.constant 0 : i32
      %dma_start3A_976 = tpu.memref_slice %arg5[%add3A_967, %dma_start3A_974, %dma_start3A_975] : memref<1024x200x128xf32, #tpu.memory_space<hbm>> -> memref<1x200x128xf32, #tpu.memory_space<hbm>>
      %dma_start3A_977 = tpu.memref_squeeze %dma_start3A_976 : memref<1x200x128xf32, #tpu.memory_space<hbm>> -> memref<200x128xf32, #tpu.memory_space<hbm>>
      %dma_start3A_978 = tpu.memref_slice %arg11[%dma_start3A_969] : memref<4x!tpu.dma_semaphore, #tpu.memory_space<semaphore_mem>> -> memref<1x!tpu.dma_semaphore, #tpu.memory_space<semaphore_mem>>
      %dma_start3A_979 = tpu.memref_squeeze %dma_start3A_978 : memref<1x!tpu.dma_semaphore, #tpu.memory_space<semaphore_mem>> -> memref<!tpu.dma_semaphore, #tpu.memory_space<semaphore_mem>>
      %dma_start3A_980 = arith.constant 0 : i32
      %dma_start3A_981 = arith.constant 0 : i32
      %dma_start3A_982 = tpu.memref_slice %arg5[%add3A_967, %dma_start3A_980, %dma_start3A_981] : memref<1024x200x128xf32, #tpu.memory_space<hbm>> -> memref<1x200x128xf32, #tpu.memory_space<hbm>>
      %dma_start3A_983 = tpu.memref_squeeze %dma_start3A_982 : memref<1x200x128xf32, #tpu.memory_space<hbm>> -> memref<200x128xf32, #tpu.memory_space<hbm>>
      %dma_start3A_984 = arith.constant 0 : i32
      %dma_start3A_985 = arith.constant 0 : i32
      %dma_start3A_986 = tpu.memref_slice %arg7[%dma_start3A_968, %dma_start3A_984, %dma_start3A_985] : memref<4x200x128xf32, #tpu.memory_space<vmem>> -> memref<1x200x128xf32, #tpu.memory_space<vmem>>
      %dma_start3A_987 = tpu.memref_squeeze %dma_start3A_986 : memref<1x200x128xf32, #tpu.memory_space<vmem>> -> memref<200x128xf32, #tpu.memory_space<vmem>>
      tpu.enqueue_dma source(%dma_start3A_987 : memref<200x128xf32, #tpu.memory_space<vmem>>) target(%dma_start3A_983 : memref<200x128xf32, #tpu.memory_space<hbm>>) target_semaphore(%dma_start3A_979 : memref<!tpu.dma_semaphore, #tpu.memory_space<semaphore_mem>>)
    }
    %scan3A_13 = arith.constant 8 : i32
    %add3A_14 = arith.constant 28 : i32
    %add3A_15 = arith.addi %mul3A_8, %add3A_14 : i32
    %dma_wait3A = arith.constant 0 : i32
    %dma_wait3A_16 = arith.constant 0 : i32
    %dma_wait3A_17 = arith.constant 0 : i32
    %dma_wait3A_18 = arith.constant 0 : i32
    %dma_wait3A_19 = tpu.memref_slice %arg7[%dma_wait3A, %dma_wait3A_17, %dma_wait3A_18] : memref<4x200x128xf32, #tpu.memory_space<vmem>> -> memref<1x200x128xf32, #tpu.memory_space<vmem>>
    %dma_wait3A_20 = tpu.memref_squeeze %dma_wait3A_19 : memref<1x200x128xf32, #tpu.memory_space<vmem>> -> memref<200x128xf32, #tpu.memory_space<vmem>>
    %dma_wait3A_21 = arith.constant 0 : i32
    %dma_wait3A_22 = arith.constant 0 : i32
    %dma_wait3A_23 = tpu.memref_slice %arg5[%add3A_15, %dma_wait3A_21, %dma_wait3A_22] : memref<1024x200x128xf32, #tpu.memory_space<hbm>> -> memref<1x200x128xf32, #tpu.memory_space<hbm>>
    %dma_wait3A_24 = tpu.memref_squeeze %dma_wait3A_23 : memref<1x200x128xf32, #tpu.memory_space<hbm>> -> memref<200x128xf32, #tpu.memory_space<hbm>>
    %dma_wait3A_25 = tpu.memref_slice %arg11[%dma_wait3A_16] : memref<4x!tpu.dma_semaphore, #tpu.memory_space<semaphore_mem>> -> memref<1x!tpu.dma_semaphore, #tpu.memory_space<semaphore_mem>>
    %dma_wait3A_26 = tpu.memref_squeeze %dma_wait3A_25 : memref<1x!tpu.dma_semaphore, #tpu.memory_space<semaphore_mem>> -> memref<!tpu.dma_semaphore, #tpu.memory_space<semaphore_mem>>
    %dma_wait3A_27 = arith.constant 0 : i32
    %dma_wait3A_28 = arith.constant 0 : i32
    %dma_wait3A_29 = tpu.memref_slice %arg5[%add3A_15, %dma_wait3A_27, %dma_wait3A_28] : memref<1024x200x128xf32, #tpu.memory_space<hbm>> -> memref<1x200x128xf32, #tpu.memory_space<hbm>>
    %dma_wait3A_30 = tpu.memref_squeeze %dma_wait3A_29 : memref<1x200x128xf32, #tpu.memory_space<hbm>> -> memref<200x128xf32, #tpu.memory_space<hbm>>
    %dma_wait3A_31 = arith.constant 0 : i32
    %dma_wait3A_32 = arith.constant 0 : i32
    %dma_wait3A_33 = tpu.memref_slice %arg7[%dma_wait3A, %dma_wait3A_31, %dma_wait3A_32] : memref<4x200x128xf32, #tpu.memory_space<vmem>> -> memref<1x200x128xf32, #tpu.memory_space<vmem>>
    %dma_wait3A_34 = tpu.memref_squeeze %dma_wait3A_33 : memref<1x200x128xf32, #tpu.memory_space<vmem>> -> memref<200x128xf32, #tpu.memory_space<vmem>>
    tpu.wait_dma2 semaphore(%dma_wait3A_26 : memref<!tpu.dma_semaphore, #tpu.memory_space<semaphore_mem>>) src(%dma_wait3A_34 : memref<200x128xf32, #tpu.memory_space<vmem>>) dst(%dma_wait3A_30 : memref<200x128xf32, #tpu.memory_space<hbm>>)
    %add3A_35 = arith.constant 29 : i32
    %add3A_36 = arith.addi %mul3A_8, %add3A_35 : i32
    %dma_wait3A_37 = arith.constant 1 : i32
    %dma_wait3A_38 = arith.constant 1 : i32
    %dma_wait3A_39 = arith.constant 0 : i32
    %dma_wait3A_40 = arith.constant 0 : i32
    %dma_wait3A_41 = tpu.memref_slice %arg7[%dma_wait3A_37, %dma_wait3A_39, %dma_wait3A_40] : memref<4x200x128xf32, #tpu.memory_space<vmem>> -> memref<1x200x128xf32, #tpu.memory_space<vmem>>
    %dma_wait3A_42 = tpu.memref_squeeze %dma_wait3A_41 : memref<1x200x128xf32, #tpu.memory_space<vmem>> -> memref<200x128xf32, #tpu.memory_space<vmem>>
    %dma_wait3A_43 = arith.constant 0 : i32
    %dma_wait3A_44 = arith.constant 0 : i32
    %dma_wait3A_45 = tpu.memref_slice %arg5[%add3A_36, %dma_wait3A_43, %dma_wait3A_44] : memref<1024x200x128xf32, #tpu.memory_space<hbm>> -> memref<1x200x128xf32, #tpu.memory_space<hbm>>
    %dma_wait3A_46 = tpu.memref_squeeze %dma_wait3A_45 : memref<1x200x128xf32, #tpu.memory_space<hbm>> -> memref<200x128xf32, #tpu.memory_space<hbm>>
    %dma_wait3A_47 = tpu.memref_slice %arg11[%dma_wait3A_38] : memref<4x!tpu.dma_semaphore, #tpu.memory_space<semaphore_mem>> -> memref<1x!tpu.dma_semaphore, #tpu.memory_space<semaphore_mem>>
    %dma_wait3A_48 = tpu.memref_squeeze %dma_wait3A_47 : memref<1x!tpu.dma_semaphore, #tpu.memory_space<semaphore_mem>> -> memref<!tpu.dma_semaphore, #tpu.memory_space<semaphore_mem>>
    %dma_wait3A_49 = arith.constant 0 : i32
    %dma_wait3A_50 = arith.constant 0 : i32
    %dma_wait3A_51 = tpu.memref_slice %arg5[%add3A_36, %dma_wait3A_49, %dma_wait3A_50] : memref<1024x200x128xf32, #tpu.memory_space<hbm>> -> memref<1x200x128xf32, #tpu.memory_space<hbm>>
    %dma_wait3A_52 = tpu.memref_squeeze %dma_wait3A_51 : memref<1x200x128xf32, #tpu.memory_space<hbm>> -> memref<200x128xf32, #tpu.memory_space<hbm>>
    %dma_wait3A_53 = arith.constant 0 : i32
    %dma_wait3A_54 = arith.constant 0 : i32
    %dma_wait3A_55 = tpu.memref_slice %arg7[%dma_wait3A_37, %dma_wait3A_53, %dma_wait3A_54] : memref<4x200x128xf32, #tpu.memory_space<vmem>> -> memref<1x200x128xf32, #tpu.memory_space<vmem>>
    %dma_wait3A_56 = tpu.memref_squeeze %dma_wait3A_55 : memref<1x200x128xf32, #tpu.memory_space<vmem>> -> memref<200x128xf32, #tpu.memory_space<vmem>>
    tpu.wait_dma2 semaphore(%dma_wait3A_48 : memref<!tpu.dma_semaphore, #tpu.memory_space<semaphore_mem>>) src(%dma_wait3A_56 : memref<200x128xf32, #tpu.memory_space<vmem>>) dst(%dma_wait3A_52 : memref<200x128xf32, #tpu.memory_space<hbm>>)
    %add3A_57 = arith.constant 30 : i32
    %add3A_58 = arith.addi %mul3A_8, %add3A_57 : i32
    %dma_wait3A_59 = arith.constant 2 : i32
    %dma_wait3A_60 = arith.constant 2 : i32
    %dma_wait3A_61 = arith.constant 0 : i32
    %dma_wait3A_62 = arith.constant 0 : i32
    %dma_wait3A_63 = tpu.memref_slice %arg7[%dma_wait3A_59, %dma_wait3A_61, %dma_wait3A_62] : memref<4x200x128xf32, #tpu.memory_space<vmem>> -> memref<1x200x128xf32, #tpu.memory_space<vmem>>
    %dma_wait3A_64 = tpu.memref_squeeze %dma_wait3A_63 : memref<1x200x128xf32, #tpu.memory_space<vmem>> -> memref<200x128xf32, #tpu.memory_space<vmem>>
    %dma_wait3A_65 = arith.constant 0 : i32
    %dma_wait3A_66 = arith.constant 0 : i32
    %dma_wait3A_67 = tpu.memref_slice %arg5[%add3A_58, %dma_wait3A_65, %dma_wait3A_66] : memref<1024x200x128xf32, #tpu.memory_space<hbm>> -> memref<1x200x128xf32, #tpu.memory_space<hbm>>
    %dma_wait3A_68 = tpu.memref_squeeze %dma_wait3A_67 : memref<1x200x128xf32, #tpu.memory_space<hbm>> -> memref<200x128xf32, #tpu.memory_space<hbm>>
    %dma_wait3A_69 = tpu.memref_slice %arg11[%dma_wait3A_60] : memref<4x!tpu.dma_semaphore, #tpu.memory_space<semaphore_mem>> -> memref<1x!tpu.dma_semaphore, #tpu.memory_space<semaphore_mem>>
    %dma_wait3A_70 = tpu.memref_squeeze %dma_wait3A_69 : memref<1x!tpu.dma_semaphore, #tpu.memory_space<semaphore_mem>> -> memref<!tpu.dma_semaphore, #tpu.memory_space<semaphore_mem>>
    %dma_wait3A_71 = arith.constant 0 : i32
    %dma_wait3A_72 = arith.constant 0 : i32
    %dma_wait3A_73 = tpu.memref_slice %arg5[%add3A_58, %dma_wait3A_71, %dma_wait3A_72] : memref<1024x200x128xf32, #tpu.memory_space<hbm>> -> memref<1x200x128xf32, #tpu.memory_space<hbm>>
    %dma_wait3A_74 = tpu.memref_squeeze %dma_wait3A_73 : memref<1x200x128xf32, #tpu.memory_space<hbm>> -> memref<200x128xf32, #tpu.memory_space<hbm>>
    %dma_wait3A_75 = arith.constant 0 : i32
    %dma_wait3A_76 = arith.constant 0 : i32
    %dma_wait3A_77 = tpu.memref_slice %arg7[%dma_wait3A_59, %dma_wait3A_75, %dma_wait3A_76] : memref<4x200x128xf32, #tpu.memory_space<vmem>> -> memref<1x200x128xf32, #tpu.memory_space<vmem>>
    %dma_wait3A_78 = tpu.memref_squeeze %dma_wait3A_77 : memref<1x200x128xf32, #tpu.memory_space<vmem>> -> memref<200x128xf32, #tpu.memory_space<vmem>>
    tpu.wait_dma2 semaphore(%dma_wait3A_70 : memref<!tpu.dma_semaphore, #tpu.memory_space<semaphore_mem>>) src(%dma_wait3A_78 : memref<200x128xf32, #tpu.memory_space<vmem>>) dst(%dma_wait3A_74 : memref<200x128xf32, #tpu.memory_space<hbm>>)
    %add3A_79 = arith.constant 31 : i32
    %add3A_80 = arith.addi %mul3A_8, %add3A_79 : i32
    %dma_wait3A_81 = arith.constant 3 : i32
    %dma_wait3A_82 = arith.constant 3 : i32
    %dma_wait3A_83 = arith.constant 0 : i32
    %dma_wait3A_84 = arith.constant 0 : i32
    %dma_wait3A_85 = tpu.memref_slice %arg7[%dma_wait3A_81, %dma_wait3A_83, %dma_wait3A_84] : memref<4x200x128xf32, #tpu.memory_space<vmem>> -> memref<1x200x128xf32, #tpu.memory_space<vmem>>
    %dma_wait3A_86 = tpu.memref_squeeze %dma_wait3A_85 : memref<1x200x128xf32, #tpu.memory_space<vmem>> -> memref<200x128xf32, #tpu.memory_space<vmem>>
    %dma_wait3A_87 = arith.constant 0 : i32
    %dma_wait3A_88 = arith.constant 0 : i32
    %dma_wait3A_89 = tpu.memref_slice %arg5[%add3A_80, %dma_wait3A_87, %dma_wait3A_88] : memref<1024x200x128xf32, #tpu.memory_space<hbm>> -> memref<1x200x128xf32, #tpu.memory_space<hbm>>
    %dma_wait3A_90 = tpu.memref_squeeze %dma_wait3A_89 : memref<1x200x128xf32, #tpu.memory_space<hbm>> -> memref<200x128xf32, #tpu.memory_space<hbm>>
    %dma_wait3A_91 = tpu.memref_slice %arg11[%dma_wait3A_82] : memref<4x!tpu.dma_semaphore, #tpu.memory_space<semaphore_mem>> -> memref<1x!tpu.dma_semaphore, #tpu.memory_space<semaphore_mem>>
    %dma_wait3A_92 = tpu.memref_squeeze %dma_wait3A_91 : memref<1x!tpu.dma_semaphore, #tpu.memory_space<semaphore_mem>> -> memref<!tpu.dma_semaphore, #tpu.memory_space<semaphore_mem>>
    %dma_wait3A_93 = arith.constant 0 : i32
    %dma_wait3A_94 = arith.constant 0 : i32
    %dma_wait3A_95 = tpu.memref_slice %arg5[%add3A_80, %dma_wait3A_93, %dma_wait3A_94] : memref<1024x200x128xf32, #tpu.memory_space<hbm>> -> memref<1x200x128xf32, #tpu.memory_space<hbm>>
    %dma_wait3A_96 = tpu.memref_squeeze %dma_wait3A_95 : memref<1x200x128xf32, #tpu.memory_space<hbm>> -> memref<200x128xf32, #tpu.memory_space<hbm>>
    %dma_wait3A_97 = arith.constant 0 : i32
    %dma_wait3A_98 = arith.constant 0 : i32
    %dma_wait3A_99 = tpu.memref_slice %arg7[%dma_wait3A_81, %dma_wait3A_97, %dma_wait3A_98] : memref<4x200x128xf32, #tpu.memory_space<vmem>> -> memref<1x200x128xf32, #tpu.memory_space<vmem>>
    %dma_wait3A_100 = tpu.memref_squeeze %dma_wait3A_99 : memref<1x200x128xf32, #tpu.memory_space<vmem>> -> memref<200x128xf32, #tpu.memory_space<vmem>>
    tpu.wait_dma2 semaphore(%dma_wait3A_92 : memref<!tpu.dma_semaphore, #tpu.memory_space<semaphore_mem>>) src(%dma_wait3A_100 : memref<200x128xf32, #tpu.memory_space<vmem>>) dst(%dma_wait3A_96 : memref<200x128xf32, #tpu.memory_space<hbm>>)
    return
  }
}

module attributes {stable_mosaic.version = 14 : i64} {
  func.func @_transpose_pad_body(%arg0: i32, %arg1: memref<64x16384xf32, #tpu.memory_space<vmem>>, %arg2: memref<16384x128xf32, #tpu.memory_space<vmem>>) attributes {dimension_semantics = [#tpu.dimension_semantics<arbitrary>], iteration_bounds = array<i64: 62>, scalar_prefetch = 0 : i64, scratch_operands = 0 : i64, tpu.core_type = #tpu.core_type<tc>, window_params = [{transform_indices = @transform_0, window_bounds = array<i64: 64, 16384>}, {transform_indices = @transform_1, window_bounds = array<i64: 16384, 128>}]} {
    %get3A = arith.constant 0 : index
    %get3A_0 = arith.constant 0 : index
    %get3A_1 = vector.load %arg1[%get3A, %get3A_0] : memref<64x16384xf32, #tpu.memory_space<vmem>>, vector<64x16384xf32>
    %transpose3A = tpu.transpose %get3A_1, [1, 0] : vector<64x16384xf32> -> vector<16384x64xf32>
    %swap3A = arith.constant 0 : index
    %swap3A_2 = arith.constant 0 : index
    %swap3A_3 = vector.load %arg2[%swap3A, %swap3A_2] : memref<16384x128xf32, #tpu.memory_space<vmem>>, vector<16384x64xf32>
    tpu.vector_store %arg2[%swap3A, %swap3A_2], %transpose3A {strides = array<i32>} : memref<16384x128xf32, #tpu.memory_space<vmem>>, vector<16384x64xf32>,
    %broadcast_in_dim3A = arith.constant 0.000000e+00 : f32
    %broadcast_in_dim3A_4 = vector.broadcast %broadcast_in_dim3A : f32 to vector<16384x64xf32>
    %swap3A_5 = arith.constant 0 : index
    %swap3A_6 = arith.constant 64 : index
    %swap3A_7 = vector.load %arg2[%swap3A_5, %swap3A_6] : memref<16384x128xf32, #tpu.memory_space<vmem>>, vector<16384x64xf32>
    tpu.vector_store %arg2[%swap3A_5, %swap3A_6], %broadcast_in_dim3A_4 {strides = array<i32>} : memref<16384x128xf32, #tpu.memory_space<vmem>>, vector<16384x64xf32>,
    return
  }
  func.func @transform_0(%arg0: i32) -> (i32, i32) {
    %c0_i32 = arith.constant 0 : i32
    %c0_i32_0 = arith.constant 0 : i32
    return %c0_i32, %arg0 : i32, i32
  }
  func.func @transform_1(%arg0: i32) -> (i32, i32) {
    %c0_i32 = arith.constant 0 : i32
    %c0_i32_0 = arith.constant 0 : i32
    return %arg0, %c0_i32 : i32, i32
  }
}

</mosaic_0001>

<sc_bundles>
// kernel: kernel.4.cloned.1.call-start
scs
__scs_entry_jumppad:
0x0: {  	(pc) =	sbr.rel $0x88, $3  }
0x1: {  	(tag) =	ssettag $0x0;
	lr =	simm.s32 $0x1  }
0x2: {  	[smem:$0x3F9E] =	sst lr;
	_ =	strace $0xD0000000  }
0x3: {  	_ = 	snop  }
0x4: {  	_ = 	snop  }
0x5: {  	_ = 	snop  }
0x6: {  	_ = 	snop  }
0x7: {  	_ = 	snop  }
__scs_overlays_trampoline_lowered:
0x8: {  	[smem:$0x3FAD] =	sst s0  }
0x9: {  	[smem:$0x3FAE] =	sst s1  }
0xa: {  	[smem:$0x3FAF] =	sst s2  }
0xb: {  	[smem:$0x3FB0] =	sst s3  }
0xc: {  	[smem:$0x3FB1] =	sst s4  }
0xd: {  	[smem:$0x3FB2] =	sst s5  }
0xe: {  	[smem:$0x3FB3] =	sst s6  }
0xf: {  	[smem:$0x3FB4] =	sst s7  }
0x10: {  	[smem:$0x3FB5] =	sst s8  }
0x11: {  	[smem:$0x3FB6] =	sst s9;
	s0 =	simm.s32 @!p0 $0x0  }
0x12: {  	s1 =	sld [smem:$0x3F9C];
	s0 =	simm.s32 @p0 $0x1  }
0x13: {  	[smem:$0x3FB7] =	sst s0;
	s0 =	simm.s32 @!p1 $0x0  }
0x14: {  	s2 =	sld [smem:$0x3F9B];
	s0 =	simm.s32 @p1 $0x1  }
0x15: {  	[smem:$0x3FB8] =	sst s0;
	s0 =	simm.s32 @!p2 $0x0  }
0x16: {  	s3 =	sld [smem:$0x3FDB];
	s0 =	simm.s32 @p2 $0x1  }
0x17: {  	s4 =	simm.s32 $0x1BF5;
	[smem:$0x3FBA] =	sst s0  }
0x18: {  	s0 =	sld [smem:$0x3F9D];
	_ =	swait.ge [sflag:s4], $0x0  }
0x19: {  	s7 =	sld [smem:$0x3F9E]  }
0x1a: {  	s8 =	sadd.s32 $0xFFFFE003, lr  }
0x1b: {  	s9 =	sadd.s32 $0xFFFFFEF7, lr;
	s5 =	simm.s32 $0xFFFFFFFF;
	p2 =	slt.u32 s8, $0xFFFFF086  }
0x1c: {  	p1 =	slt.u32 s9, $0xF7A;
	s5 =	simm.s32 @!p2 $0x0  }
0x1d: {  	s5 =	simm.s32 @p1 $0x1;
	p0 =	seq.s32 s7, s2  }
0x1e: {  	s7 =	smul.u32 @!p0 $0xF7A, s2;
	p2 =	seq.s32 @!p0 s5, $0x0  }
0x1f: {  	s9 =	smul.u32 $0xF7A, s1;
	s8 =	simm.s32 @!p0 $0x1BF5;
	p2 =	por !p2, p0  }
0x20: {  	[sflag:s8] =	ssyncset.s32 @!p0 $0xFFFFF086;
	s6 =	sadd.s32 @!p0 s3, s7;
	s7 =	simm.s32 @!p0 $0x108  }
0x21: {  	s3 =	sadd.s32 s3, s9;
	s6 =	sadd.s32 @!p0 $0x88, s6;
	s7 =	simm.s32 @p2 $0x1082  }
0x22: {  	[simem:s7], [sflag:s8] =	dma.local @!p0 [hbm:s6], $0xF7A  }
0x23: {  	s9 =	sor.u32 $0xD0000000, s2;
	s6 =	simm.s32 $0x108;
	_ =	swait.ge @!p0 [sflag:s8], $0x0  }
0x24: {  	s3 =	sadd.s32 $0x88, s3;
	s6 =	simm.s32 @!p1 $0x1082;
	[sflag:s4] =	ssyncset.s32 $0xFFFFF086  }
0x25: {  	[simem:s6], [sflag:s4] =	dma.local [hbm:s3], $0xF7A  }
0x26: {  	[smem:$0x3F9E] =	sst s1;
	(tag) =	ssettag s2;
	_ =	strace s9  }
0x27: {  	s1 =	sld [smem:$0x3FAE]  }
0x28: {  	s2 =	sld [smem:$0x3FAF]  }
0x29: {  	s4 =	sld [smem:$0x3FB1]  }
0x2a: {  	p0 =	seq.s32 s5, $0x0;
	s5 =	sld [smem:$0x3FB2]  }
0x2b: {  	s6 =	sld [smem:$0x3FB3]  }
0x2c: {  	s7 =	sld [smem:$0x3FB4]  }
0x2d: {  	s3 =	simm.s32 $0x108;
	s8 =	sld [smem:$0x3FB5]  }
0x2e: {  	s3 =	simm.s32 @!p0 $0x1082;
	s9 =	sld [smem:$0x3FB6]  }
0x2f: {  	lr =	sadd.s32 s0, s3;
	s0 =	sld [smem:$0x3FAD]  }
0x30: {  	s3 =	sld [smem:$0x3FB0]  }
0x31: {  	[smem:$0x3FB9] =	sst s10  }
0x32: {  	s10 =	sld [smem:$0x3FB7];
	_ =	sdelay $0x3  }
0x33: {  	p0 =	seq.s32 s10, $0x1;
	s10 =	sld [smem:$0x3FB9];
	_ =	sdelay $0x3  }
0x34: {  	[smem:$0x3FB9] =	sst s10  }
0x35: {  	s10 =	sld [smem:$0x3FB8];
	_ =	sdelay $0x3  }
0x36: {  	p1 =	seq.s32 s10, $0x1;
	s10 =	sld [smem:$0x3FB9];
	_ =	sdelay $0x3  }
0x37: {  	[smem:$0x3FB9] =	sst s10  }
0x38: {  	s10 =	sld [smem:$0x3FBA]  }
0x39: {  	_ = 	snop;
	(pc) =	sbr.ind lr, $3  }
0x3a: {  	_ = 	snop  }
0x3b: {  	_ = 	snop  }
0x3c: {  	p2 =	seq.s32 s10, $0x1;
	s10 =	sld [smem:$0x3FB9]  }
0x3d: {  	_ =	shalt  }
0x3e: {  	_ =	shalt  }
0x3f: {  	_ =	shalt  }
0x40: {  	_ =	shalt  }
0x41: {  	_ =	shalt  }
0x42: {  	_ =	shalt  }
0x43: {  	_ =	shalt  }
0x44: {  	_ =	shalt  }
0x45: {  	_ =	shalt  }
0x46: {  	_ =	shalt  }
0x47: {  	_ =	shalt  }
0x48: {  	_ =	shalt  }
0x49: {  	_ =	shalt  }
0x4a: {  	_ =	shalt  }
0x4b: {  	_ =	shalt  }
0x4c: {  	_ =	shalt  }
0x4d: {  	_ =	shalt  }
0x4e: {  	_ =	shalt  }
0x4f: {  	_ =	shalt  }
0x50: {  	_ =	shalt  }
0x51: {  	_ =	shalt  }
0x52: {  	_ =	shalt  }
0x53: {  	_ =	shalt  }
0x54: {  	_ =	shalt  }
0x55: {  	_ =	shalt  }
0x56: {  	_ =	shalt  }
0x57: {  	_ =	shalt  }
0x58: {  	_ =	shalt  }
0x59: {  	_ =	shalt  }
0x5a: {  	_ =	shalt  }
0x5b: {  	_ =	shalt  }
0x5c: {  	_ =	shalt  }
0x5d: {  	_ =	shalt  }
0x5e: {  	_ =	shalt  }
0x5f: {  	_ =	shalt  }
0x60: {  	_ =	shalt  }
0x61: {  	_ =	shalt  }
0x62: {  	_ =	shalt  }
0x63: {  	_ =	shalt  }
0x64: {  	_ =	shalt  }
0x65: {  	_ =	shalt  }
0x66: {  	_ =	shalt  }
0x67: {  	_ =	shalt  }
0x68: {  	_ =	shalt  }
0x69: {  	_ =	shalt  }
0x6a: {  	_ =	shalt  }
0x6b: {  	_ =	shalt  }
0x6c: {  	_ =	shalt  }
0x6d: {  	_ =	shalt  }
0x6e: {  	_ =	shalt  }
0x6f: {  	_ =	shalt  }
0x70: {  	_ =	shalt  }
0x71: {  	_ =	shalt  }
0x72: {  	_ =	shalt  }
0x73: {  	_ =	shalt  }
0x74: {  	_ =	shalt  }
0x75: {  	_ =	shalt  }
0x76: {  	_ =	shalt  }
0x77: {  	_ =	shalt  }
0x78: {  	_ =	shalt  }
0x79: {  	_ =	shalt  }
0x7a: {  	_ =	shalt  }
0x7b: {  	_ =	shalt  }
0x7c: {  	_ =	shalt  }
0x7d: {  	_ =	shalt  }
0x7e: {  	_ =	shalt  }
0x7f: {  	_ =	shalt  }
0x80: {  	_ =	shalt  }
0x81: {  	_ =	shalt  }
0x82: {  	_ =	shalt  }
0x83: {  	_ =	shalt  }
0x84: {  	_ =	shalt  }
0x85: {  	_ =	shalt  }
0x86: {  	_ =	shalt  }
0x87: {  	_ =	shalt  }
.Lfunc_end0:
.L_simem_size_0:
called_computation.1_lowered:
.L_overlay_start_0:
0x88: {  	s2 =	sld [smem:$0x3FD9]  }
0x89: {  	s3 =	sld [smem:$0x3FFE];
	_ =	sdelay $0x1  }
0x8a: {  	s1 =	srdreg.scid  }
0x8b: {  	s0 =	sand.u32 $0x1, s1  }
0x8c: {  	s17 =	sshll.u32 s0, $0xA;
	s2 =	sadd.s32 s3, s2  }
0x8d: {  	s2 =	sadd.s32 s2, s17  }
0x8e: {  	[smem:$0x3FC5] =	sst s2  }
0x8f: {  	_ = 	snop  }
0x90: {  	s2 =	sld [smem:$0x3FD0];
	(tm) =	ssettm $0x1  }
0x91: {  	s18 =	sld [smem:$0x3FFB];
	_ =	sdelay $0x3  }
0x92: {  	_ =	strace s18  }
0x93: {  	s3 =	sld [smem:$0x3FFC];
	_ =	sdelay $0x3  }
0x94: {  	_ =	strace s3  }
0x95: {  	s3 =	sld [smem:$0x3FFD];
	_ =	sdelay $0x3  }
0x96: {  	_ =	strace s3  }
0x97: {  	_ =	strace $0x8FFFFFFF  }
0x98: {  	s19 =	sld [smem:$0x3FDB];
	_ =	sdelay $0x1  }
0x99: {  	s4 =	simm.s32 $_scs_section_size  }
0x9a: {  	s5 =	simm.s32 $_size__tile_overlayer_lowered;
	s6 =	simm.s32 $_tile_overlayer_lowered  }
0x9b: {  	s22 =	simm.s32 $0x1BFF;
	s21 =	sshll.u32 s6, $0x1;
	s3 =	sadd.s32 s4, s19  }
0x9c: {  	s7 =	simm.s32 $0x0;
	s20 =	sshll.u32 s5, $0x1;
	s5 =	sadd.s32 s21, s3  }
0x9d: {  	[timem:s7], [sflag:s22] =	dma.local [hbm:s5], s20  }
0x9e: {  	_ =	swait.ge [sflag:s22], s20  }
0x9f: {  	s4 =	ssub.s32 $0x0, s20;
	[sflag:s22] =	ssyncset.done $0x0  }
0xa0: {  	[sflag:s22] =	ssyncadd.s32 s4;
	_ =	sdelay $0x1  }
0xa1: {  	s23 =	simm.s32 $0x1B8B  }
0xa2: {  	_ =	swait.ge [sflag:s23], $0x1  }
0xa3: {  	[sflag:s23] =	ssyncset.done $0x0  }
0xa4: {  	s25 =	simm.s32 $0x1B8E;
	s24 =	sld [smem:$0x3FFE];
	[sflag:s23] =	ssyncadd.s32 $0xFFFFFFFF  }
0xa5: {  	s26 =	simm.s32 $execute0_lowered;
	[smem:$0x3FD2] =	sst s25  }
0xa6: {  	s5 =	sshll.u32 s26, $0x1;
	_ =	strace $0x80000046;
	[dreg:$0x1] =	wrdreg $0xFFFFFFFF  }
0xa7: {  	s28 =	simm.s32 $_size_execute0_lowered;
	s3 =	sadd.s32 s3, s5;
	[dreg:$0x0] =	wrdreg $0x0  }
0xa8: {  	s5 =	sshll.u32 s28, $0x1;
	[dreg:$0x2] =	wrdreg s3  }
0xa9: {  	[dreg:$0x3] =	wrdreg s5  }
0xaa: {  	[dreg:$0x4] =	wrdreg $0xC0  }
0xab: {  	_ =	task [dreg:s7], $0x5FFFF  }
0xac: {  	[dreg:$0x1] =	wrdreg $0xFFFFFFFF  }
0xad: {  	[dreg:$0x0] =	wrdreg $0x60  }
0xae: {  	[dreg:$0x2] =	wrdreg s2  }
0xaf: {  	[dreg:$0x3] =	wrdreg s24  }
0xb0: {  	[dreg:$0x4] =	wrdreg $0x1A9000  }
0xb1: {  	[dreg:$0x5] =	wrdreg $0x9  }
0xb2: {  	_ =	task.clear_ibuf [dreg:s7], $0x6FFFF;
	_ =	strace $0x90000046  }
0xb3: {  	s29 =	simm.s32 $0x9;
	_ =	strace $0x80000048  }
0xb4: {  	_ =	swait.ge [sflag:s29], $0x1  }
0xb5: {  	[sflag:s29] =	ssyncadd.s32 $0xFFFFFFFF  }
0xb6: {  	_ =	strace $0x90000048  }
0xb7: {  	_ =	sfence  }
0xb8: {  	s30 =	sld [smem:$0x0];
	_ =	sdelay $0x2  }
0xb9: {  	s31 =	sshll.u32 s1, $0xD;
	s1 =	sshrl.u32 s1, $0x2  }
0xba: {  	s3 =	sand.u32 $0x4000, s31;
	s1 =	sadd.s32 s1, s30  }
0xbb: {  	s0 =	sor.u32 s3, s0;
	s1 =	sshll.u32 s1, $0x11  }
0xbc: {  	s0 =	sor.u32 s1, s0  }
0xbd: {  	s0 =	sadd.s32 $0x8F2B, s0  }
0xbe: {  	[sflag:s0] =	ssyncadd.remote.s32 $0x1  }
0xbf: {  	_ =	sfence.sel $0xFFFF  }
0xc0: {  	[dreg:$0x0] =	wrdreg $0xFFFFFFFF;
	(pc) =	sbr.abs _section_cstart, $3  }
0xc1: {  	[dreg:$0x1] =	wrdreg $0xFFFFFFFF  }
0xc2: {  	_ =	task.clear_ibuf [dreg:s7], $0x2FFFF;
	_ =	strace $0x9FFFFFFF  }
0xc3: {  	(tm) =	ssettm $0x7FFFFFFF  }
tec
execute0_lowered:
.L_overlay_start_1:
0x0: {  	(tag) =	ssettag $0x1  }
0x1: {  	s0 =	rddreg [dreg:$0x0]  }
0x2: {  	s4 =	rddreg [dreg:$0x1]  }
0x3: {  	s1 =	rddreg [dreg:$0x2];
	s2 =	simm.s32 $0x0  }
0x4: {  	[smem:$0x7FF] =	sst s2;
	s5 =	sadd.s32 $0xA00, s4  }
0x5: {  	s13 =	simm.s32 $0x2D00;
	_ =	strace $0x80000047;
	[dreg:$0x15] =	wrdreg s5  }
0x6: {  	s14 =	simm.s32 $0x4100;
	[dreg:$0x4] =	wrdreg s13  }
0x7: {  	s16 =	simm.s32 $0x5500;
	[dreg:$0x5] =	wrdreg s14  }
0x8: {  	s17 =	simm.s32 $0x6900;
	[dreg:$0x6] =	wrdreg s16  }
0x9: {  	s19 =	simm.s32 $0x9100;
	[dreg:$0x7] =	wrdreg s17  }
0xa: {  	s3 =	srdreg.scid;
	s20 =	simm.s32 $0xA500;
	[dreg:$0x8] =	wrdreg s19  }
0xb: {  	s6 =	stileid.u32;
	s21 =	simm.s32 $0xB900;
	[dreg:$0x9] =	wrdreg s20  }
0xc: {  	s22 =	simm.s32 $0xCD00;
	s23 =	simm.s32 $0xF500;
	[dreg:$0xa] =	wrdreg s21  }
0xd: {  	s24 =	simm.s32 $0x10900;
	s25 =	simm.s32 $0x11D00;
	[dreg:$0xb] =	wrdreg s22  }
0xe: {  	s26 =	simm.s32 $0x13100;
	s28 =	simm.s32 $0x15900;
	[dreg:$0xc] =	wrdreg s23  }
0xf: {  	s29 =	simm.s32 $0x16D00;
	s30 =	simm.s32 $0x18100;
	[dreg:$0xd] =	wrdreg s24  }
0x10: {  	s31 =	simm.s32 $0x19500;
	s8 =	sand.u32 $0x1, s3;
	[dreg:$0xe] =	wrdreg s25  }
0x11: {  	s2 =	sshll.u32 s6, $0x1;
	s3 =	sadd.s32 $0x1800, s4;
	[dreg:$0xf] =	wrdreg s26  }
0x12: {  	s15 =	smul.u32 $0x32000, s6;
	p0 =	sne.s32 s6, $0x0;
	[dreg:$0x10] =	wrdreg s28  }
0x13: {  	s7 =	ssub.s32 $0x2, s8;
	s9 =	sor.u32 s8, s2;
	[dreg:$0x11] =	wrdreg s29  }
0x14: {  	s5 =	sadd.s32 $0xF43C00, s4;
	s8 =	smul.u32 $0x19000, s8;
	[dreg:$0x12] =	wrdreg s30  }
0x15: {  	s14 =	simm.s32 $0x28;
	[dreg:$0x13] =	wrdreg s31;
	s10 =	sshrl.u32 s7, $0x1  }
0x16: {  	s21 =	simm.s32 $0x5;
	s11 =	smul.u32 $0x320, s9;
	s12 =	ssub.s32 s7, s10  }
0x17: {  	s22 =	simm.s32 $0x6;
	[dreg:$0x14] =	wrdreg s5;
	s4 =	smax.u32 s12, $0x1  }
0x18: {  	s0 =	sadd.s32 s0, s11;
	[dreg:$0x17] =	wrdreg s4;
	s4 =	sadd.s32 s15, s5  }
0x19: {  	s23 =	simm.s32 $0x7;
	[dreg:$0x16] =	wrdreg s0;
	s4 =	sadd.s32 s8, s4  }
0x1a: {  	s24 =	simm.s32 $0x8;
	[dreg:$0x18] =	wrdreg s4;
	s4 =	sshrl.u32 @!p0 s1, $0x3  }
0x1b: {  	s2 =	simm.s32 $0x0;
	s18 =	sshll.u32 s9, $0x5;
	[dreg:$0x19] =	wrdreg s4  }
.LBB2_1:
0x1c: {  	[dreg:$0x1a] =	wrdreg s2  }
0x1d: {  	s4 =	rddreg [dreg:$0x15]  }
0x1e: {  	s0 =	simm.s32 @!p0 $0x1C0D;
	s6 =	rddreg [dreg:$0x19]  }
0x1f: {  	[spmem:s6], [sflag:s0] =	dma.local @!p0 [hbm:s4], $0xC80  }
0x20: {  	s0 =	simm.s32 @!p0 $0xD  }
0x21: {  	_ =	swait.ge @!p0 [sflag:s0], $0xC80  }
0x22: {  	[sflag:s0] =	ssyncset.done @!p0 $0x0  }
0x23: {  	[sflag:s0] =	ssyncadd.s32 @!p0 $0xFFFFF380  }
0x24: {  	[bflag:$0x0] =	sbarrier.arrive $0xFFFF  }
0x25: {  	s5 =	simm.s32 $0x0;
	s6 =	simm.s32 $0xD;
	s4 =	rddreg [dreg:$0x16]  }
0x26: {  	[tilespmem:s5], [sflag:$0xD] =	stream.linear.gather [hbm4b:s4+s5], $0x1900, $0x38;
	[tilespmem:$0x1AF40] =	vst v63  }
0x27: {  	p1 =	por $0x0, $0x0;
	_ =	swait.ge [sflag:s6], $0x1900  }
0x28: {  	p2 =	por p1, p1;
	[sflag:s6] =	ssyncset.done $0x0  }
0x29: {  	s0 =	simm.s32 @p2 $0x9;
	[sflag:s6] =	ssyncadd.s32 $0xFFFFE700  }
0x2a: {  	_ =	swait.ge @p2 [sflag:s0], $0x6400  }
0x2b: {  	[sflag:s0] =	ssyncset.done @p2 $0x0  }
0x2c: {  	[sflag:s0] =	ssyncadd.s32 @p2 $0xFFFF9C00  }
0x2d: {  	s4 =	simm.s32 @p2 $0xA;
	s0 =	simm.s32 @p2 $0x1900;
	s1 =	rddreg [dreg:$0x2]  }
0x2e: {  	[tilespmem:s0], [sflag:$0x1] =	stream.linear.gather @p2 [spmem:s1], $0x6400, $0x38;
	[tilespmem:$0x1AF40] =	vst v63  }
0x2f: {  	_ =	swait.ge @p2 [sflag:s4], $0x6400  }
0x30: {  	[sflag:s4] =	ssyncset.done @p2 $0x0  }
0x31: {  	s0 =	simm.s32 @p2 $0x7D00;
	[sflag:s4] =	ssyncadd.s32 @p2 $0xFFFF9C00;
	s4 =	simm.s32 @p2 $0xB  }
0x32: {  	[tilespmem:s0], [sflag:$0x2] =	stream.linear.gather @p2 [spmem:s1], $0x6400, $0x38;
	[tilespmem:$0x1AF40] =	vst v63  }
0x33: {  	_ =	swait.ge @p2 [sflag:s4], $0x6400  }
0x34: {  	[sflag:s4] =	ssyncset.done @p2 $0x0  }
0x35: {  	s0 =	simm.s32 @p2 $0xE100;
	[sflag:s4] =	ssyncadd.s32 @p2 $0xFFFF9C00;
	s4 =	simm.s32 @p2 $0xC  }
0x36: {  	[tilespmem:s0], [sflag:$0x3] =	stream.linear.gather @p2 [spmem:s1], $0x6400, $0x38;
	[tilespmem:$0x1AF40] =	vst v63  }
0x37: {  	_ =	swait.ge @p2 [sflag:s4], $0x6400  }
0x38: {  	[sflag:s4] =	ssyncset.done @p2 $0x0  }
0x39: {  	s0 =	simm.s32 @!p2 $0x1900;
	[sflag:s4] =	ssyncadd.s32 @p2 $0xFFFF9C00  }
0x3a: {  	[tilespmem:s0], [sflag:$0x1] =	stream.linear.gather @!p2 [spmem:s1], $0x6400, $0x38;
	[tilespmem:$0x1AF40] =	vst v63  }
0x3b: {  	s0 =	simm.s32 @!p2 $0x7D00  }
0x3c: {  	[tilespmem:s0], [sflag:$0x2] =	stream.linear.gather @!p2 [spmem:s1], $0x6400, $0x38;
	[tilespmem:$0x1AF40] =	vst v63  }
0x3d: {  	s0 =	simm.s32 @!p2 $0xE100  }
0x3e: {  	[tilespmem:s0], [sflag:$0x3] =	stream.linear.gather @!p2 [spmem:s1], $0x6400, $0x38;
	[tilespmem:$0x1AF40] =	vst v63  }
0x3f: {  	s2 =	simm.s32 $0x14500;
	s7 =	simm.s32 $0x1  }
0x40: {  	[tilespmem:s2], [sflag:$0x4] =	stream.linear.gather [spmem:s1], $0x6400, $0x38;
	[tilespmem:$0x1AF40] =	vst v63  }
0x41: {  	_ =	swait.ge [sflag:s7], $0x6400  }
0x42: {  	[sflag:s7] =	ssyncset.done $0x0  }
0x43: {  	s8 =	simm.s32 $0x0;
	[sflag:s7] =	ssyncadd.s32 $0xFFFF9C00;
	s7 =	simm.s32 $0x1900  }
0x44: {  	[tilespmem:s7], [sflag:$0x5] =	stream.indirect.gather.add.f32 [hbm:s3], $0x80, s8, s14, $0xb8;
	[tilespmem:$0x1AF40] =	vst v63  }
0x45: {  	s10 =	simm.s32 $0x28;
	s9 =	rddreg [dreg:$0x4]  }
0x46: {  	[tilespmem:s9], [sflag:$0x5] =	stream.indirect.gather.add.f32 [hbm:s3], $0x80, s10, s14, $0xb8;
	[tilespmem:$0x1AF40] =	vst v63  }
0x47: {  	s12 =	simm.s32 $0x50;
	s15 =	simm.s32 $0x78;
	s11 =	rddreg [dreg:$0x5]  }
0x48: {  	[tilespmem:s11], [sflag:$0x5] =	stream.indirect.gather.add.f32 [hbm:s3], $0x80, s12, s14, $0xb8;
	[tilespmem:$0x1AF40] =	vst v63  }
0x49: {  	s16 =	simm.s32 $0xA0;
	s0 =	simm.s32 @p1 $0x1;
	s13 =	rddreg [dreg:$0x6]  }
0x4a: {  	[tilespmem:s13], [sflag:$0x5] =	stream.indirect.gather.add.f32 [hbm:s3], $0x80, s15, s14, $0xb8;
	[tilespmem:$0x1AF40] =	vst v63  }
0x4b: {  	s19 =	simm.s32 $0x2;
	s0 =	simm.s32 @!p1 $0x1;
	s8 =	rddreg [dreg:$0x7]  }
0x4c: {  	[tilespmem:s8], [sflag:$0x5] =	stream.indirect.gather.add.f32 [hbm:s3], $0x80, s16, s14, $0xb8;
	[tilespmem:$0x1AF40] =	vst v63  }
0x4d: {  	s17 =	smul.u32 $0x320, s0;
	_ =	swait.ge [sflag:s19], $0x6400  }
0x4e: {  	[sflag:s19] =	ssyncset.done $0x0  }
0x4f: {  	s1 =	simm.s32 $0x7D00;
	s20 =	sshra.s32 s17, $0x2;
	[sflag:s19] =	ssyncadd.s32 $0xFFFF9C00  }
0x50: {  	[tilespmem:s1], [sflag:$0x6] =	stream.indirect.gather.add.f32 [hbm:s3], $0x80, s20, s14, $0xb8;
	[tilespmem:$0x1AF40] =	vst v63  }
0x51: {  	s26 =	sadd.s32 $0x28, s20;
	s25 =	rddreg [dreg:$0x8]  }
0x52: {  	[tilespmem:s25], [sflag:$0x6] =	stream.indirect.gather.add.f32 [hbm:s3], $0x80, s26, s14, $0xb8;
	[tilespmem:$0x1AF40] =	vst v63  }
0x53: {  	s4 =	simm.s32 @p1 $0x2;
	s29 =	sadd.s32 $0x50, s20;
	s9 =	rddreg [dreg:$0x9]  }
0x54: {  	[tilespmem:s9], [sflag:$0x6] =	stream.indirect.gather.add.f32 [hbm:s3], $0x80, s29, s14, $0xb8;
	[tilespmem:$0x1AF40] =	vst v63  }
0x55: {  	s4 =	simm.s32 @!p1 $0x2;
	s11 =	sadd.s32 $0x78, s20;
	s30 =	rddreg [dreg:$0xa]  }
0x56: {  	[tilespmem:s30], [sflag:$0x6] =	stream.indirect.gather.add.f32 [hbm:s3], $0x80, s11, s14, $0xb8;
	[tilespmem:$0x1AF40] =	vst v63  }
0x57: {  	s6 =	sadd.s32 $0xA0, s20;
	s13 =	simm.s32 $0x3;
	s10 =	rddreg [dreg:$0xb]  }
0x58: {  	[tilespmem:s10], [sflag:$0x6] =	stream.indirect.gather.add.f32 [hbm:s3], $0x80, s6, s14, $0xb8;
	[tilespmem:$0x1AF40] =	vst v63  }
0x59: {  	s12 =	smul.u32 $0x320, s4;
	_ =	swait.ge [sflag:s13], $0x6400  }
0x5a: {  	[sflag:s13] =	ssyncset.done $0x0  }
0x5b: {  	s15 =	sshra.s32 s12, $0x2;
	[sflag:s13] =	ssyncadd.s32 $0xFFFF9C00;
	s13 =	simm.s32 $0xE100  }
0x5c: {  	[tilespmem:s13], [sflag:$0x7] =	stream.indirect.gather.add.f32 [hbm:s3], $0x80, s15, s14, $0xb8;
	[tilespmem:$0x1AF40] =	vst v63  }
0x5d: {  	s17 =	sadd.s32 $0x28, s15;
	s16 =	rddreg [dreg:$0xc]  }
0x5e: {  	[tilespmem:s16], [sflag:$0x7] =	stream.indirect.gather.add.f32 [hbm:s3], $0x80, s17, s14, $0xb8;
	[tilespmem:$0x1AF40] =	vst v63  }
0x5f: {  	s8 =	sadd.s32 $0xA0, s15;
	s20 =	sadd.s32 $0x50, s15;
	s19 =	rddreg [dreg:$0xd]  }
0x60: {  	[tilespmem:s19], [sflag:$0x7] =	stream.indirect.gather.add.f32 [hbm:s3], $0x80, s20, s14, $0xb8;
	[tilespmem:$0x1AF40] =	vst v63  }
0x61: {  	s26 =	sadd.s32 $0x78, s15;
	s6 =	simm.s32 $0x3;
	s25 =	rddreg [dreg:$0xe]  }
0x62: {  	[tilespmem:s25], [sflag:$0x7] =	stream.indirect.gather.add.f32 [hbm:s3], $0x80, s26, s14, $0xb8;
	[tilespmem:$0x1AF40] =	vst v63  }
0x63: {  	s30 =	simm.s32 $0x4;
	s6 =	simm.s32 @!p1 $0x3;
	s11 =	rddreg [dreg:$0xf]  }
0x64: {  	[tilespmem:s11], [sflag:$0x7] =	stream.indirect.gather.add.f32 [hbm:s3], $0x80, s8, s14, $0xb8;
	[tilespmem:$0x1AF40] =	vst v63  }
0x65: {  	s29 =	smul.u32 $0x320, s6;
	_ =	swait.ge [sflag:s30], $0x6400  }
0x66: {  	[sflag:s30] =	ssyncset.done $0x0  }
0x67: {  	s8 =	sshra.s32 s29, $0x2;
	[sflag:s30] =	ssyncadd.s32 $0xFFFF9C00  }
0x68: {  	[tilespmem:s2], [sflag:$0x8] =	stream.indirect.gather.add.f32 [hbm:s3], $0x80, s8, s14, $0xb8;
	[tilespmem:$0x1AF40] =	vst v63  }
0x69: {  	s11 =	sadd.s32 $0x28, s8;
	s10 =	rddreg [dreg:$0x10]  }
0x6a: {  	[tilespmem:s10], [sflag:$0x8] =	stream.indirect.gather.add.f32 [hbm:s3], $0x80, s11, s14, $0xb8;
	[tilespmem:$0x1AF40] =	vst v63  }
0x6b: {  	s15 =	sadd.s32 $0x50, s8;
	s12 =	rddreg [dreg:$0x11]  }
0x6c: {  	[tilespmem:s12], [sflag:$0x8] =	stream.indirect.gather.add.f32 [hbm:s3], $0x80, s15, s14, $0xb8;
	[tilespmem:$0x1AF40] =	vst v63  }
0x6d: {  	s17 =	sadd.s32 $0x78, s8;
	s16 =	rddreg [dreg:$0x12]  }
0x6e: {  	[tilespmem:s16], [sflag:$0x8] =	stream.indirect.gather.add.f32 [hbm:s3], $0x80, s17, s14, $0xb8;
	[tilespmem:$0x1AF40] =	vst v63  }
0x6f: {  	s19 =	rddreg [dreg:$0x13];
	s8 =	sadd.s32 $0xA0, s8  }
0x70: {  	[tilespmem:s19], [sflag:$0x8] =	stream.indirect.gather.add.f32 [hbm:s3], $0x80, s8, s14, $0xb8;
	[tilespmem:$0x1AF40] =	vst v63  }
0x71: {  	_ =	swait.ge [sflag:s21], $0x1400  }
0x72: {  	[sflag:s21] =	ssyncset.done $0x0  }
0x73: {  	[sflag:s21] =	ssyncadd.s32 $0xFFFFEC00  }
0x74: {  	_ =	swait.ge [sflag:s21], $0x1400  }
0x75: {  	[sflag:s21] =	ssyncset.done $0x0  }
0x76: {  	[sflag:s21] =	ssyncadd.s32 $0xFFFFEC00  }
0x77: {  	_ =	swait.ge [sflag:s21], $0x1400  }
0x78: {  	[sflag:s21] =	ssyncset.done $0x0  }
0x79: {  	[sflag:s21] =	ssyncadd.s32 $0xFFFFEC00  }
0x7a: {  	_ =	swait.ge [sflag:s21], $0x1400  }
0x7b: {  	[sflag:s21] =	ssyncset.done $0x0  }
0x7c: {  	[sflag:s21] =	ssyncadd.s32 $0xFFFFEC00  }
0x7d: {  	_ =	swait.ge [sflag:s21], $0x1400  }
0x7e: {  	[sflag:s21] =	ssyncset.done $0x0  }
0x7f: {  	s12 =	rddreg [dreg:$0x18];
	[sflag:s21] =	ssyncadd.s32 $0xFFFFEC00  }
0x80: {  	[hbm4b:s12+s5] =	stream.linear.scatter [tilespmem:s7], [sflag:$0x9], $0x6400, $0x38;
	[tilespmem:$0x1AF40] =	vst v63  }
0x81: {  	_ =	swait.ge [sflag:s22], $0x1400  }
0x82: {  	[sflag:s22] =	ssyncset.done $0x0  }
0x83: {  	[sflag:s22] =	ssyncadd.s32 $0xFFFFEC00  }
0x84: {  	_ =	swait.ge [sflag:s22], $0x1400  }
0x85: {  	[sflag:s22] =	ssyncset.done $0x0  }
0x86: {  	[sflag:s22] =	ssyncadd.s32 $0xFFFFEC00  }
0x87: {  	_ =	swait.ge [sflag:s22], $0x1400  }
0x88: {  	[sflag:s22] =	ssyncset.done $0x0  }
0x89: {  	[sflag:s22] =	ssyncadd.s32 $0xFFFFEC00  }
0x8a: {  	_ =	swait.ge [sflag:s22], $0x1400  }
0x8b: {  	[sflag:s22] =	ssyncset.done $0x0  }
0x8c: {  	s0 =	sadd.s32 s18, s0;
	[sflag:s22] =	ssyncadd.s32 $0xFFFFEC00  }
0x8d: {  	s0 =	smul.u32 $0xC80, s0;
	_ =	swait.ge [sflag:s22], $0x1400  }
0x8e: {  	[sflag:s22] =	ssyncset.done $0x0;
	s20 =	rddreg [dreg:$0x14]  }
0x8f: {  	[sflag:s22] =	ssyncadd.s32 $0xFFFFEC00;
	s0 =	sadd.s32 s20, s0  }
0x90: {  	[hbm4b:s0+s5] =	stream.linear.scatter [tilespmem:s1], [sflag:$0xA], $0x6400, $0x38;
	[tilespmem:$0x1AF40] =	vst v63  }
0x91: {  	_ =	swait.ge [sflag:s23], $0x1400  }
0x92: {  	[sflag:s23] =	ssyncset.done $0x0  }
0x93: {  	[sflag:s23] =	ssyncadd.s32 $0xFFFFEC00  }
0x94: {  	_ =	swait.ge [sflag:s23], $0x1400  }
0x95: {  	[sflag:s23] =	ssyncset.done $0x0  }
0x96: {  	[sflag:s23] =	ssyncadd.s32 $0xFFFFEC00  }
0x97: {  	_ =	swait.ge [sflag:s23], $0x1400  }
0x98: {  	[sflag:s23] =	ssyncset.done $0x0  }
0x99: {  	[sflag:s23] =	ssyncadd.s32 $0xFFFFEC00  }
0x9a: {  	_ =	swait.ge [sflag:s23], $0x1400  }
0x9b: {  	[sflag:s23] =	ssyncset.done $0x0  }
0x9c: {  	s26 =	sadd.s32 s18, s4;
	[sflag:s23] =	ssyncadd.s32 $0xFFFFEC00  }
0x9d: {  	s0 =	smul.u32 $0xC80, s26;
	_ =	swait.ge [sflag:s23], $0x1400  }
0x9e: {  	[sflag:s23] =	ssyncset.done $0x0  }
0x9f: {  	s0 =	sadd.s32 s20, s0;
	[sflag:s23] =	ssyncadd.s32 $0xFFFFEC00  }
0xa0: {  	[hbm4b:s0+s5] =	stream.linear.scatter [tilespmem:s13], [sflag:$0xB], $0x6400, $0x38;
	[tilespmem:$0x1AF40] =	vst v63  }
0xa1: {  	_ =	swait.ge [sflag:s24], $0x1400  }
0xa2: {  	[sflag:s24] =	ssyncset.done $0x0  }
0xa3: {  	[sflag:s24] =	ssyncadd.s32 $0xFFFFEC00  }
0xa4: {  	s28 =	simm.s32 $0xB;
	p1 =	por $0x1, $0x1;
	_ =	swait.ge [sflag:s24], $0x1400  }
0xa5: {  	s25 =	simm.s32 $0xC80;
	s4 =	simm.s32 $0x7;
	[sflag:s24] =	ssyncset.done $0x0  }
0xa6: {  	s29 =	sadd.s32 s18, s6;
	s6 =	simm.s32 @p1 $0x6;
	[sflag:s24] =	ssyncadd.s32 $0xFFFFEC00  }
0xa7: {  	s6 =	simm.s32 @!p1 $0x2;
	s30 =	smul.u32 $0xC80, s29;
	_ =	swait.ge [sflag:s24], $0x1400  }
0xa8: {  	s10 =	smul.u32 $0x320, s6;
	s6 =	sadd.s32 s18, s6;
	[sflag:s24] =	ssyncset.done $0x0  }
0xa9: {  	s4 =	simm.s32 @!p1 $0x3;
	s31 =	smul.u32 $0xC80, s6;
	[sflag:s24] =	ssyncadd.s32 $0xFFFFEC00  }
0xaa: {  	s8 =	smul.u32 $0x320, s4;
	s4 =	sadd.s32 s18, s4;
	_ =	swait.ge [sflag:s24], $0x1400  }
0xab: {  	s4 =	smul.u32 $0xC80, s4;
	s6 =	sadd.s32 $0x3200, s12;
	[sflag:s24] =	ssyncset.done $0x0  }
0xac: {  	s9 =	sadd.s32 s20, s30;
	s0 =	simm.s32 @p1 $0x5;
	[sflag:s24] =	ssyncadd.s32 $0xFFFFEC00  }
0xad: {  	s26 =	simm.s32 $0x1900;
	s0 =	simm.s32 @!p1 $0x1;
	_ =	swait.ge [sflag:s24], $0x1400  }
0xae: {  	s11 =	smul.u32 $0x320, s0;
	s0 =	sadd.s32 s18, s0;
	[sflag:s24] =	ssyncset.done $0x0  }
0xaf: {  	p1 =	por p1, p1;
	s0 =	smul.u32 $0xC80, s0;
	[sflag:s24] =	ssyncadd.s32 $0xFFFFEC00  }
.LBB2_2:
0xb0: {  	s2 =	simm.s32 $0x14500;
	s5 =	simm.s32 $0x0  }
0xb1: {  	[hbm4b:s9+s5] =	stream.linear.scatter [tilespmem:s2], [sflag:$0xC], $0x6400, $0x38;
	[tilespmem:$0x1AF40] =	vst v63  }
0xb2: {  	s29 =	smov.u32 s4;
	s4 =	simm.s32 @p1 $0x9  }
0xb3: {  	_ =	swait.ge @p1 [sflag:s4], $0x6400  }
0xb4: {  	s12 =	smov.u32 s26;
	[sflag:s4] =	ssyncset.done @p1 $0x0  }
0xb5: {  	s15 =	simm.s32 @p1 $0xA;
	s13 =	simm.s32 @p1 $0xB;
	[sflag:s4] =	ssyncadd.s32 @p1 $0xFFFF9C00  }
0xb6: {  	p3 =	sne.s32 s12, $0x0;
	s4 =	simm.s32 @p1 $0x1900;
	s1 =	rddreg [dreg:$0x2]  }
0xb7: {  	[tilespmem:s4], [sflag:$0x1] =	stream.linear.gather @p1 [spmem:s1], $0x6400, $0x38;
	[tilespmem:$0x1AF40] =	vst v63  }
0xb8: {  	s9 =	sadd.s32 @p3 $0xFFFFFFFE, s28;
	s30 =	sadd.s32 @p3 $0xFFFFFFFF, s28;
	_ =	swait.ge @p1 [sflag:s15], $0x6400  }
0xb9: {  	s9 =	simm.s32 @!p3 $0x1;
	s30 =	simm.s32 @!p3 $0x2;
	[sflag:s15] =	ssyncset.done @p1 $0x0  }
0xba: {  	s19 =	smul.u32 $0x320, s9;
	[sflag:s15] =	ssyncadd.s32 @p1 $0xFFFF9C00;
	s15 =	simm.s32 @p1 $0x7D00  }
0xbb: {  	[tilespmem:s15], [sflag:$0x2] =	stream.linear.gather @p1 [spmem:s1], $0x6400, $0x38;
	[tilespmem:$0x1AF40] =	vst v63  }
0xbc: {  	s17 =	smul.u32 $0x320, s30;
	s9 =	sadd.s32 s18, s9;
	_ =	swait.ge @p1 [sflag:s13], $0x6400  }
0xbd: {  	s16 =	sadd.s32 s18, s30;
	s30 =	smul.u32 $0xC80, s9;
	[sflag:s13] =	ssyncset.done @p1 $0x0  }
0xbe: {  	s9 =	simm.s32 @p1 $0xE100;
	[sflag:s13] =	ssyncadd.s32 @p1 $0xFFFF9C00;
	s13 =	simm.s32 @p1 $0xC  }
0xbf: {  	[tilespmem:s9], [sflag:$0x3] =	stream.linear.gather @p1 [spmem:s1], $0x6400, $0x38;
	[tilespmem:$0x1AF40] =	vst v63  }
0xc0: {  	_ =	swait.ge @p1 [sflag:s13], $0x6400  }
0xc1: {  	[sflag:s13] =	ssyncset.done @p1 $0x0  }
0xc2: {  	[sflag:s13] =	ssyncadd.s32 @p1 $0xFFFF9C00;
	s13 =	simm.s32 @!p1 $0x1900  }
0xc3: {  	[tilespmem:s13], [sflag:$0x1] =	stream.linear.gather @!p1 [spmem:s1], $0x6400, $0x38;
	[tilespmem:$0x1AF40] =	vst v63  }
0xc4: {  	s13 =	simm.s32 @!p1 $0x7D00  }
0xc5: {  	[tilespmem:s13], [sflag:$0x2] =	stream.linear.gather @!p1 [spmem:s1], $0x6400, $0x38;
	[tilespmem:$0x1AF40] =	vst v63  }
0xc6: {  	s13 =	simm.s32 @!p1 $0xE100  }
0xc7: {  	[tilespmem:s13], [sflag:$0x3] =	stream.linear.gather @!p1 [spmem:s1], $0x6400, $0x38;
	[tilespmem:$0x1AF40] =	vst v63  }
0xc8: {  	s4 =	smov.u32 s28;
	s9 =	smul.u32 $0xC80, s16;
	s16 =	simm.s32 $0x1  }
0xc9: {  	[tilespmem:s2], [sflag:$0x4] =	stream.linear.gather [spmem:s1], $0x6400, $0x38;
	[tilespmem:$0x1AF40] =	vst v63  }
0xca: {  	s4 =	simm.s32 @!p3 $0x3;
	_ =	swait.ge [sflag:s16], $0x6400  }
0xcb: {  	s7 =	simm.s32 $0x1900;
	s15 =	smul.u32 $0x320, s4;
	[sflag:s16] =	ssyncset.done $0x0  }
0xcc: {  	s4 =	sadd.s32 s18, s4;
	s13 =	sshra.s32 s25, $0x2;
	[sflag:s16] =	ssyncadd.s32 $0xFFFF9C00  }
0xcd: {  	[tilespmem:s7], [sflag:$0x5] =	stream.indirect.gather.add.f32 [hbm:s3], $0x80, s13, s14, $0xb8;
	[tilespmem:$0x1AF40] =	vst v63  }
0xce: {  	s1 =	smov.u32 s18;
	s18 =	sadd.s32 $0x28, s13;
	s16 =	rddreg [dreg:$0x4]  }
0xcf: {  	[tilespmem:s16], [sflag:$0x5] =	stream.indirect.gather.add.f32 [hbm:s3], $0x80, s18, s14, $0xb8;
	[tilespmem:$0x1AF40] =	vst v63  }
0xd0: {  	s20 =	rddreg [dreg:$0x5];
	s18 =	sadd.s32 $0x50, s13  }
0xd1: {  	[tilespmem:s20], [sflag:$0x5] =	stream.indirect.gather.add.f32 [hbm:s3], $0x80, s18, s14, $0xb8;
	[tilespmem:$0x1AF40] =	vst v63  }
0xd2: {  	s16 =	rddreg [dreg:$0x6];
	s18 =	sadd.s32 $0x78, s13  }
0xd3: {  	[tilespmem:s16], [sflag:$0x5] =	stream.indirect.gather.add.f32 [hbm:s3], $0x80, s18, s14, $0xb8;
	[tilespmem:$0x1AF40] =	vst v63  }
0xd4: {  	s20 =	rddreg [dreg:$0x7];
	s16 =	sadd.s32 $0xA0, s13;
	s18 =	simm.s32 $0x2  }
0xd5: {  	[tilespmem:s20], [sflag:$0x5] =	stream.indirect.gather.add.f32 [hbm:s3], $0x80, s16, s14, $0xb8;
	[tilespmem:$0x1AF40] =	vst v63  }
0xd6: {  	_ =	swait.ge [sflag:s18], $0x6400  }
0xd7: {  	s25 =	smov.u32 s12;
	[sflag:s18] =	ssyncset.done $0x0  }
0xd8: {  	s12 =	sshra.s32 s11, $0x2;
	s20 =	simm.s32 $0x7D00;
	[sflag:s18] =	ssyncadd.s32 $0xFFFF9C00  }
0xd9: {  	[tilespmem:s20], [sflag:$0x6] =	stream.indirect.gather.add.f32 [hbm:s3], $0x80, s12, s14, $0xb8;
	[tilespmem:$0x1AF40] =	vst v63  }
0xda: {  	s16 =	sadd.s32 $0x28, s12;
	s13 =	rddreg [dreg:$0x8]  }
0xdb: {  	[tilespmem:s13], [sflag:$0x6] =	stream.indirect.gather.add.f32 [hbm:s3], $0x80, s16, s14, $0xb8;
	[tilespmem:$0x1AF40] =	vst v63  }
0xdc: {  	s11 =	smov.u32 s19;
	s19 =	sadd.s32 $0x50, s12;
	s18 =	rddreg [dreg:$0x9]  }
0xdd: {  	[tilespmem:s18], [sflag:$0x6] =	stream.indirect.gather.add.f32 [hbm:s3], $0x80, s19, s14, $0xb8;
	[tilespmem:$0x1AF40] =	vst v63  }
0xde: {  	s16 =	rddreg [dreg:$0xa];
	s18 =	sadd.s32 $0x78, s12  }
0xdf: {  	[tilespmem:s16], [sflag:$0x6] =	stream.indirect.gather.add.f32 [hbm:s3], $0x80, s18, s14, $0xb8;
	[tilespmem:$0x1AF40] =	vst v63  }
0xe0: {  	s19 =	rddreg [dreg:$0xb];
	s12 =	sadd.s32 $0xA0, s12;
	s16 =	simm.s32 $0x3  }
0xe1: {  	[tilespmem:s19], [sflag:$0x6] =	stream.indirect.gather.add.f32 [hbm:s3], $0x80, s12, s14, $0xb8;
	[tilespmem:$0x1AF40] =	vst v63  }
0xe2: {  	_ =	swait.ge [sflag:s16], $0x6400  }
0xe3: {  	[sflag:s16] =	ssyncset.done $0x0  }
0xe4: {  	s12 =	sshra.s32 s10, $0x2;
	s19 =	simm.s32 $0xE100;
	[sflag:s16] =	ssyncadd.s32 $0xFFFF9C00  }
0xe5: {  	[tilespmem:s19], [sflag:$0x7] =	stream.indirect.gather.add.f32 [hbm:s3], $0x80, s12, s14, $0xb8;
	[tilespmem:$0x1AF40] =	vst v63  }
0xe6: {  	s13 =	rddreg [dreg:$0xc];
	s16 =	sadd.s32 $0x28, s12  }
0xe7: {  	[tilespmem:s13], [sflag:$0x7] =	stream.indirect.gather.add.f32 [hbm:s3], $0x80, s16, s14, $0xb8;
	[tilespmem:$0x1AF40] =	vst v63  }
0xe8: {  	s10 =	smov.u32 s17;
	s17 =	sadd.s32 $0x50, s12;
	s18 =	rddreg [dreg:$0xd]  }
0xe9: {  	[tilespmem:s18], [sflag:$0x7] =	stream.indirect.gather.add.f32 [hbm:s3], $0x80, s17, s14, $0xb8;
	[tilespmem:$0x1AF40] =	vst v63  }
0xea: {  	s16 =	rddreg [dreg:$0xe];
	s18 =	smov.u32 s1;
	s17 =	sadd.s32 $0x78, s12  }
0xeb: {  	[tilespmem:s16], [sflag:$0x7] =	stream.indirect.gather.add.f32 [hbm:s3], $0x80, s17, s14, $0xb8;
	[tilespmem:$0x1AF40] =	vst v63  }
0xec: {  	s1 =	rddreg [dreg:$0xf];
	s12 =	sadd.s32 $0xA0, s12;
	s16 =	simm.s32 $0x4  }
0xed: {  	[tilespmem:s1], [sflag:$0x7] =	stream.indirect.gather.add.f32 [hbm:s3], $0x80, s12, s14, $0xb8;
	[tilespmem:$0x1AF40] =	vst v63  }
0xee: {  	_ =	swait.ge [sflag:s16], $0x6400  }
0xef: {  	[sflag:s16] =	ssyncset.done $0x0  }
0xf0: {  	s12 =	sshra.s32 s8, $0x2;
	[sflag:s16] =	ssyncadd.s32 $0xFFFF9C00  }
0xf1: {  	[tilespmem:s2], [sflag:$0x8] =	stream.indirect.gather.add.f32 [hbm:s3], $0x80, s12, s14, $0xb8;
	[tilespmem:$0x1AF40] =	vst v63  }
0xf2: {  	s1 =	sadd.s32 $0x28, s12;
	s17 =	rddreg [dreg:$0x10]  }
0xf3: {  	[tilespmem:s17], [sflag:$0x8] =	stream.indirect.gather.add.f32 [hbm:s3], $0x80, s1, s14, $0xb8;
	[tilespmem:$0x1AF40] =	vst v63  }
0xf4: {  	s8 =	smov.u32 s15;
	s15 =	sadd.s32 $0x50, s12;
	s2 =	rddreg [dreg:$0x11]  }
0xf5: {  	[tilespmem:s2], [sflag:$0x8] =	stream.indirect.gather.add.f32 [hbm:s3], $0x80, s15, s14, $0xb8;
	[tilespmem:$0x1AF40] =	vst v63  }
0xf6: {  	s16 =	rddreg [dreg:$0x12];
	s1 =	sadd.s32 $0x78, s12  }
0xf7: {  	[tilespmem:s16], [sflag:$0x8] =	stream.indirect.gather.add.f32 [hbm:s3], $0x80, s1, s14, $0xb8;
	[tilespmem:$0x1AF40] =	vst v63  }
0xf8: {  	s12 =	sadd.s32 $0xA0, s12;
	s2 =	rddreg [dreg:$0x13]  }
0xf9: {  	[tilespmem:s2], [sflag:$0x8] =	stream.indirect.gather.add.f32 [hbm:s3], $0x80, s12, s14, $0xb8;
	[tilespmem:$0x1AF40] =	vst v63  }
0xfa: {  	_ =	swait.ge [sflag:s21], $0x1400  }
0xfb: {  	[sflag:s21] =	ssyncset.done $0x0  }
0xfc: {  	[sflag:s21] =	ssyncadd.s32 $0xFFFFEC00  }
0xfd: {  	_ =	swait.ge [sflag:s21], $0x1400  }
0xfe: {  	[sflag:s21] =	ssyncset.done $0x0  }
0xff: {  	[sflag:s21] =	ssyncadd.s32 $0xFFFFEC00  }
0x100: {  	_ =	swait.ge [sflag:s21], $0x1400  }
0x101: {  	[sflag:s21] =	ssyncset.done $0x0  }
0x102: {  	[sflag:s21] =	ssyncadd.s32 $0xFFFFEC00  }
0x103: {  	_ =	swait.ge [sflag:s21], $0x1400  }
0x104: {  	[sflag:s21] =	ssyncset.done $0x0  }
0x105: {  	[sflag:s21] =	ssyncadd.s32 $0xFFFFEC00  }
0x106: {  	_ =	swait.ge [sflag:s21], $0x1400  }
0x107: {  	[sflag:s21] =	ssyncset.done $0x0  }
0x108: {  	[sflag:s21] =	ssyncadd.s32 $0xFFFFEC00  }
0x109: {  	[hbm4b:s6+s5] =	stream.linear.scatter [tilespmem:s7], [sflag:$0x9], $0x6400, $0x38;
	[tilespmem:$0x1AF40] =	vst v63  }
0x10a: {  	_ =	swait.ge [sflag:s22], $0x1400  }
0x10b: {  	[sflag:s22] =	ssyncset.done $0x0  }
0x10c: {  	[sflag:s22] =	ssyncadd.s32 $0xFFFFEC00  }
0x10d: {  	_ =	swait.ge [sflag:s22], $0x1400  }
0x10e: {  	[sflag:s22] =	ssyncset.done $0x0  }
0x10f: {  	[sflag:s22] =	ssyncadd.s32 $0xFFFFEC00  }
0x110: {  	_ =	swait.ge [sflag:s22], $0x1400  }
0x111: {  	[sflag:s22] =	ssyncset.done $0x0  }
0x112: {  	[sflag:s22] =	ssyncadd.s32 $0xFFFFEC00  }
0x113: {  	_ =	swait.ge [sflag:s22], $0x1400  }
0x114: {  	[sflag:s22] =	ssyncset.done $0x0  }
0x115: {  	[sflag:s22] =	ssyncadd.s32 $0xFFFFEC00  }
0x116: {  	_ =	swait.ge [sflag:s22], $0x1400  }
0x117: {  	[sflag:s22] =	ssyncset.done $0x0;
	s16 =	rddreg [dreg:$0x14]  }
0x118: {  	[sflag:s22] =	ssyncadd.s32 $0xFFFFEC00;
	s17 =	sadd.s32 s16, s0  }
0x119: {  	[hbm4b:s17+s5] =	stream.linear.scatter [tilespmem:s20], [sflag:$0xA], $0x6400, $0x38;
	[tilespmem:$0x1AF40] =	vst v63  }
0x11a: {  	_ =	swait.ge [sflag:s23], $0x1400  }
0x11b: {  	[sflag:s23] =	ssyncset.done $0x0  }
0x11c: {  	[sflag:s23] =	ssyncadd.s32 $0xFFFFEC00  }
0x11d: {  	_ =	swait.ge [sflag:s23], $0x1400  }
0x11e: {  	[sflag:s23] =	ssyncset.done $0x0  }
0x11f: {  	[sflag:s23] =	ssyncadd.s32 $0xFFFFEC00  }
0x120: {  	_ =	swait.ge [sflag:s23], $0x1400  }
0x121: {  	[sflag:s23] =	ssyncset.done $0x0  }
0x122: {  	[sflag:s23] =	ssyncadd.s32 $0xFFFFEC00  }
0x123: {  	_ =	swait.ge [sflag:s23], $0x1400  }
0x124: {  	[sflag:s23] =	ssyncset.done $0x0  }
0x125: {  	[sflag:s23] =	ssyncadd.s32 $0xFFFFEC00  }
0x126: {  	_ =	swait.ge [sflag:s23], $0x1400  }
0x127: {  	[sflag:s23] =	ssyncset.done $0x0  }
0x128: {  	s0 =	smov.u32 s30;
	s30 =	sadd.s32 s16, s31;
	[sflag:s23] =	ssyncadd.s32 $0xFFFFEC00  }
0x129: {  	[hbm4b:s30+s5] =	stream.linear.scatter [tilespmem:s19], [sflag:$0xB], $0x6400, $0x38;
	[tilespmem:$0x1AF40] =	vst v63  }
0x12a: {  	_ =	swait.ge [sflag:s24], $0x1400  }
0x12b: {  	[sflag:s24] =	ssyncset.done $0x0  }
0x12c: {  	[sflag:s24] =	ssyncadd.s32 $0xFFFFEC00  }
0x12d: {  	_ =	swait.ge [sflag:s24], $0x1400  }
0x12e: {  	[sflag:s24] =	ssyncset.done $0x0  }
0x12f: {  	[sflag:s24] =	ssyncadd.s32 $0xFFFFEC00  }
0x130: {  	_ =	swait.ge [sflag:s24], $0x1400  }
0x131: {  	[sflag:s24] =	ssyncset.done $0x0  }
0x132: {  	s26 =	sadd.s32 $0xC80, s26;
	[sflag:s24] =	ssyncadd.s32 $0xFFFFEC00  }
0x133: {  	p2 =	sne.s32 s26, $0x6400;
	_ =	swait.ge [sflag:s24], $0x1400  }
.Ltmp0:
0x134: {  	[sflag:s24] =	ssyncset.done $0x0;
	(pc) =	sbr.rel @p2 .LBB2_2-.Ltmp0, $4  }
0x135: {  	[sflag:s24] =	ssyncadd.s32 $0xFFFFEC00  }
0x136: {  	s28 =	sadd.s32 $0x4, s28;
	s4 =	smul.u32 $0xC80, s4;
	_ =	swait.ge [sflag:s24], $0x1400  }
0x137: {  	p1 =	por p3, p3;
	s6 =	sadd.s32 $0x3200, s6;
	[sflag:s24] =	ssyncset.done $0x0  }
0x138: {  	s31 =	smov.u32 s9;
	s9 =	sadd.s32 s16, s29;
	[sflag:s24] =	ssyncadd.s32 $0xFFFFEC00  }
0x139: {  	s2 =	simm.s32 $0x14500;
	s5 =	simm.s32 $0x0  }
0x13a: {  	[hbm4b:s9+s5] =	stream.linear.scatter [tilespmem:s2], [sflag:$0xC], $0x6400, $0x38;
	[tilespmem:$0x1AF40] =	vst v63  }
0x13b: {  	s9 =	simm.s32 @p1 $0x9  }
0x13c: {  	_ =	swait.ge @p1 [sflag:s9], $0x6400  }
0x13d: {  	[sflag:s9] =	ssyncset.done @p1 $0x0  }
0x13e: {  	[sflag:s9] =	ssyncadd.s32 @p1 $0xFFFF9C00  }
0x13f: {  	s12 =	simm.s32 @p1 $0xA;
	s9 =	simm.s32 @p1 $0x1900;
	s1 =	rddreg [dreg:$0x2]  }
0x140: {  	[tilespmem:s9], [sflag:$0x1] =	stream.linear.gather @p1 [spmem:s1], $0x6400, $0x38;
	[tilespmem:$0x1AF40] =	vst v63  }
0x141: {  	_ =	swait.ge @p1 [sflag:s12], $0x6400  }
0x142: {  	[sflag:s12] =	ssyncset.done @p1 $0x0  }
0x143: {  	s9 =	simm.s32 @p1 $0x7D00;
	[sflag:s12] =	ssyncadd.s32 @p1 $0xFFFF9C00;
	s12 =	simm.s32 @p1 $0xB  }
0x144: {  	[tilespmem:s9], [sflag:$0x2] =	stream.linear.gather @p1 [spmem:s1], $0x6400, $0x38;
	[tilespmem:$0x1AF40] =	vst v63  }
0x145: {  	_ =	swait.ge @p1 [sflag:s12], $0x6400  }
0x146: {  	[sflag:s12] =	ssyncset.done @p1 $0x0  }
0x147: {  	s9 =	simm.s32 @p1 $0xE100;
	[sflag:s12] =	ssyncadd.s32 @p1 $0xFFFF9C00;
	s12 =	simm.s32 @p1 $0xC  }
0x148: {  	[tilespmem:s9], [sflag:$0x3] =	stream.linear.gather @p1 [spmem:s1], $0x6400, $0x38;
	[tilespmem:$0x1AF40] =	vst v63  }
0x149: {  	_ =	swait.ge @p1 [sflag:s12], $0x6400  }
0x14a: {  	[sflag:s12] =	ssyncset.done @p1 $0x0  }
0x14b: {  	s9 =	simm.s32 @!p1 $0x1900;
	[sflag:s12] =	ssyncadd.s32 @p1 $0xFFFF9C00  }
0x14c: {  	[tilespmem:s9], [sflag:$0x1] =	stream.linear.gather @!p1 [spmem:s1], $0x6400, $0x38;
	[tilespmem:$0x1AF40] =	vst v63  }
0x14d: {  	s9 =	simm.s32 @!p1 $0x7D00  }
0x14e: {  	[tilespmem:s9], [sflag:$0x2] =	stream.linear.gather @!p1 [spmem:s1], $0x6400, $0x38;
	[tilespmem:$0x1AF40] =	vst v63  }
0x14f: {  	s9 =	simm.s32 @!p1 $0xE100  }
0x150: {  	[tilespmem:s9], [sflag:$0x3] =	stream.linear.gather @!p1 [spmem:s1], $0x6400, $0x38;
	[tilespmem:$0x1AF40] =	vst v63  }
0x151: {  	s20 =	simm.s32 $0x1  }
0x152: {  	[tilespmem:s2], [sflag:$0x4] =	stream.linear.gather [spmem:s1], $0x6400, $0x38;
	[tilespmem:$0x1AF40] =	vst v63  }
0x153: {  	_ =	swait.ge [sflag:s20], $0x6400  }
0x154: {  	[sflag:s20] =	ssyncset.done $0x0  }
0x155: {  	s25 =	sshra.s32 s25, $0x2;
	s7 =	simm.s32 $0x1900;
	[sflag:s20] =	ssyncadd.s32 $0xFFFF9C00  }
0x156: {  	[tilespmem:s7], [sflag:$0x5] =	stream.indirect.gather.add.f32 [hbm:s3], $0x80, s25, s14, $0xb8;
	[tilespmem:$0x1AF40] =	vst v63  }
0x157: {  	s13 =	sadd.s32 $0x28, s25;
	s26 =	rddreg [dreg:$0x4]  }
0x158: {  	[tilespmem:s26], [sflag:$0x5] =	stream.indirect.gather.add.f32 [hbm:s3], $0x80, s13, s14, $0xb8;
	[tilespmem:$0x1AF40] =	vst v63  }
0x159: {  	s28 =	sadd.s32 $0x50, s25;
	s15 =	rddreg [dreg:$0x5]  }
0x15a: {  	[tilespmem:s15], [sflag:$0x5] =	stream.indirect.gather.add.f32 [hbm:s3], $0x80, s28, s14, $0xb8;
	[tilespmem:$0x1AF40] =	vst v63  }
0x15b: {  	s30 =	sadd.s32 $0x78, s25;
	s29 =	rddreg [dreg:$0x6]  }
0x15c: {  	[tilespmem:s29], [sflag:$0x5] =	stream.indirect.gather.add.f32 [hbm:s3], $0x80, s30, s14, $0xb8;
	[tilespmem:$0x1AF40] =	vst v63  }
0x15d: {  	s9 =	sadd.s32 $0xA0, s25;
	s1 =	rddreg [dreg:$0x7];
	s13 =	simm.s32 $0x2  }
0x15e: {  	[tilespmem:s1], [sflag:$0x5] =	stream.indirect.gather.add.f32 [hbm:s3], $0x80, s9, s14, $0xb8;
	[tilespmem:$0x1AF40] =	vst v63  }
0x15f: {  	_ =	swait.ge [sflag:s13], $0x6400  }
0x160: {  	[sflag:s13] =	ssyncset.done $0x0  }
0x161: {  	s15 =	sshra.s32 s11, $0x2;
	s1 =	simm.s32 $0x7D00;
	[sflag:s13] =	ssyncadd.s32 $0xFFFF9C00  }
0x162: {  	[tilespmem:s1], [sflag:$0x6] =	stream.indirect.gather.add.f32 [hbm:s3], $0x80, s15, s14, $0xb8;
	[tilespmem:$0x1AF40] =	vst v63  }
0x163: {  	s17 =	sadd.s32 $0x28, s15;
	s16 =	rddreg [dreg:$0x8]  }
0x164: {  	[tilespmem:s16], [sflag:$0x6] =	stream.indirect.gather.add.f32 [hbm:s3], $0x80, s17, s14, $0xb8;
	[tilespmem:$0x1AF40] =	vst v63  }
0x165: {  	s20 =	sadd.s32 $0x50, s15;
	s19 =	rddreg [dreg:$0x9]  }
0x166: {  	[tilespmem:s19], [sflag:$0x6] =	stream.indirect.gather.add.f32 [hbm:s3], $0x80, s20, s14, $0xb8;
	[tilespmem:$0x1AF40] =	vst v63  }
0x167: {  	s26 =	sadd.s32 $0x78, s15;
	s25 =	rddreg [dreg:$0xa]  }
0x168: {  	[tilespmem:s25], [sflag:$0x6] =	stream.indirect.gather.add.f32 [hbm:s3], $0x80, s26, s14, $0xb8;
	[tilespmem:$0x1AF40] =	vst v63  }
0x169: {  	s29 =	simm.s32 $0x3;
	s9 =	sadd.s32 $0xA0, s15;
	s28 =	rddreg [dreg:$0xb]  }
0x16a: {  	[tilespmem:s28], [sflag:$0x6] =	stream.indirect.gather.add.f32 [hbm:s3], $0x80, s9, s14, $0xb8;
	[tilespmem:$0x1AF40] =	vst v63  }
0x16b: {  	_ =	swait.ge [sflag:s29], $0x6400  }
0x16c: {  	[sflag:s29] =	ssyncset.done $0x0  }
0x16d: {  	s30 =	sshra.s32 s10, $0x2;
	s13 =	simm.s32 $0xE100;
	[sflag:s29] =	ssyncadd.s32 $0xFFFF9C00  }
0x16e: {  	[tilespmem:s13], [sflag:$0x7] =	stream.indirect.gather.add.f32 [hbm:s3], $0x80, s30, s14, $0xb8;
	[tilespmem:$0x1AF40] =	vst v63  }
0x16f: {  	s15 =	sadd.s32 $0x28, s30;
	s12 =	rddreg [dreg:$0xc]  }
0x170: {  	[tilespmem:s12], [sflag:$0x7] =	stream.indirect.gather.add.f32 [hbm:s3], $0x80, s15, s14, $0xb8;
	[tilespmem:$0x1AF40] =	vst v63  }
0x171: {  	s17 =	sadd.s32 $0x50, s30;
	s16 =	rddreg [dreg:$0xd]  }
0x172: {  	[tilespmem:s16], [sflag:$0x7] =	stream.indirect.gather.add.f32 [hbm:s3], $0x80, s17, s14, $0xb8;
	[tilespmem:$0x1AF40] =	vst v63  }
0x173: {  	s20 =	sadd.s32 $0x78, s30;
	s19 =	rddreg [dreg:$0xe]  }
0x174: {  	[tilespmem:s19], [sflag:$0x7] =	stream.indirect.gather.add.f32 [hbm:s3], $0x80, s20, s14, $0xb8;
	[tilespmem:$0x1AF40] =	vst v63  }
0x175: {  	s26 =	simm.s32 $0x4;
	s9 =	sadd.s32 $0xA0, s30;
	s25 =	rddreg [dreg:$0xf]  }
0x176: {  	[tilespmem:s25], [sflag:$0x7] =	stream.indirect.gather.add.f32 [hbm:s3], $0x80, s9, s14, $0xb8;
	[tilespmem:$0x1AF40] =	vst v63  }
0x177: {  	_ =	swait.ge [sflag:s26], $0x6400  }
0x178: {  	[sflag:s26] =	ssyncset.done $0x0  }
0x179: {  	s8 =	sshra.s32 s8, $0x2;
	[sflag:s26] =	ssyncadd.s32 $0xFFFF9C00  }
0x17a: {  	[tilespmem:s2], [sflag:$0x8] =	stream.indirect.gather.add.f32 [hbm:s3], $0x80, s8, s14, $0xb8;
	[tilespmem:$0x1AF40] =	vst v63  }
0x17b: {  	s29 =	sadd.s32 $0x28, s8;
	s28 =	rddreg [dreg:$0x10]  }
0x17c: {  	[tilespmem:s28], [sflag:$0x8] =	stream.indirect.gather.add.f32 [hbm:s3], $0x80, s29, s14, $0xb8;
	[tilespmem:$0x1AF40] =	vst v63  }
0x17d: {  	s10 =	sadd.s32 $0x50, s8;
	s30 =	rddreg [dreg:$0x11]  }
0x17e: {  	[tilespmem:s30], [sflag:$0x8] =	stream.indirect.gather.add.f32 [hbm:s3], $0x80, s10, s14, $0xb8;
	[tilespmem:$0x1AF40] =	vst v63  }
0x17f: {  	s15 =	sadd.s32 $0x78, s8;
	s12 =	rddreg [dreg:$0x12]  }
0x180: {  	[tilespmem:s12], [sflag:$0x8] =	stream.indirect.gather.add.f32 [hbm:s3], $0x80, s15, s14, $0xb8;
	[tilespmem:$0x1AF40] =	vst v63  }
0x181: {  	s16 =	rddreg [dreg:$0x13];
	s8 =	sadd.s32 $0xA0, s8  }
0x182: {  	[tilespmem:s16], [sflag:$0x8] =	stream.indirect.gather.add.f32 [hbm:s3], $0x80, s8, s14, $0xb8;
	[tilespmem:$0x1AF40] =	vst v63  }
0x183: {  	_ =	swait.ge [sflag:s21], $0x1400  }
0x184: {  	[sflag:s21] =	ssyncset.done $0x0  }
0x185: {  	[sflag:s21] =	ssyncadd.s32 $0xFFFFEC00  }
0x186: {  	_ =	swait.ge [sflag:s21], $0x1400  }
0x187: {  	[sflag:s21] =	ssyncset.done $0x0  }
0x188: {  	[sflag:s21] =	ssyncadd.s32 $0xFFFFEC00  }
0x189: {  	_ =	swait.ge [sflag:s21], $0x1400  }
0x18a: {  	[sflag:s21] =	ssyncset.done $0x0  }
0x18b: {  	[sflag:s21] =	ssyncadd.s32 $0xFFFFEC00  }
0x18c: {  	_ =	swait.ge [sflag:s21], $0x1400  }
0x18d: {  	[sflag:s21] =	ssyncset.done $0x0  }
0x18e: {  	[sflag:s21] =	ssyncadd.s32 $0xFFFFEC00  }
0x18f: {  	_ =	swait.ge [sflag:s21], $0x1400  }
0x190: {  	[sflag:s21] =	ssyncset.done $0x0  }
0x191: {  	[sflag:s21] =	ssyncadd.s32 $0xFFFFEC00  }
0x192: {  	[hbm4b:s6+s5] =	stream.linear.scatter [tilespmem:s7], [sflag:$0x9], $0x6400, $0x38;
	[tilespmem:$0x1AF40] =	vst v63  }
0x193: {  	_ =	swait.ge [sflag:s22], $0x1400  }
0x194: {  	[sflag:s22] =	ssyncset.done $0x0  }
0x195: {  	[sflag:s22] =	ssyncadd.s32 $0xFFFFEC00  }
0x196: {  	_ =	swait.ge [sflag:s22], $0x1400  }
0x197: {  	[sflag:s22] =	ssyncset.done $0x0  }
0x198: {  	[sflag:s22] =	ssyncadd.s32 $0xFFFFEC00  }
0x199: {  	_ =	swait.ge [sflag:s22], $0x1400  }
0x19a: {  	[sflag:s22] =	ssyncset.done $0x0  }
0x19b: {  	[sflag:s22] =	ssyncadd.s32 $0xFFFFEC00  }
0x19c: {  	_ =	swait.ge [sflag:s22], $0x1400  }
0x19d: {  	[sflag:s22] =	ssyncset.done $0x0  }
0x19e: {  	[sflag:s22] =	ssyncadd.s32 $0xFFFFEC00  }
0x19f: {  	_ =	swait.ge [sflag:s22], $0x1400  }
0x1a0: {  	[sflag:s22] =	ssyncset.done $0x0;
	s17 =	rddreg [dreg:$0x14]  }
0x1a1: {  	[sflag:s22] =	ssyncadd.s32 $0xFFFFEC00;
	s0 =	sadd.s32 s17, s0  }
0x1a2: {  	[hbm4b:s0+s5] =	stream.linear.scatter [tilespmem:s1], [sflag:$0xA], $0x6400, $0x38;
	[tilespmem:$0x1AF40] =	vst v63  }
0x1a3: {  	_ =	swait.ge [sflag:s23], $0x1400  }
0x1a4: {  	[sflag:s23] =	ssyncset.done $0x0  }
0x1a5: {  	[sflag:s23] =	ssyncadd.s32 $0xFFFFEC00  }
0x1a6: {  	_ =	swait.ge [sflag:s23], $0x1400  }
0x1a7: {  	[sflag:s23] =	ssyncset.done $0x0  }
0x1a8: {  	[sflag:s23] =	ssyncadd.s32 $0xFFFFEC00  }
0x1a9: {  	_ =	swait.ge [sflag:s23], $0x1400  }
0x1aa: {  	[sflag:s23] =	ssyncset.done $0x0  }
0x1ab: {  	[sflag:s23] =	ssyncadd.s32 $0xFFFFEC00  }
0x1ac: {  	_ =	swait.ge [sflag:s23], $0x1400  }
0x1ad: {  	[sflag:s23] =	ssyncset.done $0x0  }
0x1ae: {  	[sflag:s23] =	ssyncadd.s32 $0xFFFFEC00  }
0x1af: {  	_ =	swait.ge [sflag:s23], $0x1400  }
0x1b0: {  	[sflag:s23] =	ssyncset.done $0x0  }
0x1b1: {  	s19 =	sadd.s32 s17, s31;
	[sflag:s23] =	ssyncadd.s32 $0xFFFFEC00  }
0x1b2: {  	[hbm4b:s19+s5] =	stream.linear.scatter [tilespmem:s13], [sflag:$0xB], $0x6400, $0x38;
	[tilespmem:$0x1AF40] =	vst v63  }
0x1b3: {  	_ =	swait.ge [sflag:s24], $0x1400  }
0x1b4: {  	[sflag:s24] =	ssyncset.done $0x0  }
0x1b5: {  	[sflag:s24] =	ssyncadd.s32 $0xFFFFEC00  }
0x1b6: {  	_ =	swait.ge [sflag:s24], $0x1400  }
0x1b7: {  	[sflag:s24] =	ssyncset.done $0x0  }
0x1b8: {  	[sflag:s24] =	ssyncadd.s32 $0xFFFFEC00  }
0x1b9: {  	_ =	swait.ge [sflag:s24], $0x1400  }
0x1ba: {  	[sflag:s24] =	ssyncset.done $0x0  }
0x1bb: {  	[sflag:s24] =	ssyncadd.s32 $0xFFFFEC00  }
0x1bc: {  	_ =	swait.ge [sflag:s24], $0x1400  }
0x1bd: {  	[sflag:s24] =	ssyncset.done $0x0  }
0x1be: {  	[sflag:s24] =	ssyncadd.s32 $0xFFFFEC00  }
0x1bf: {  	_ =	swait.ge [sflag:s24], $0x1400  }
0x1c0: {  	[sflag:s24] =	ssyncset.done $0x0  }
0x1c1: {  	s25 =	simm.s32 $0x9;
	s20 =	sadd.s32 s17, s4;
	[sflag:s24] =	ssyncadd.s32 $0xFFFFEC00  }
0x1c2: {  	[hbm4b:s20+s5] =	stream.linear.scatter [tilespmem:s2], [sflag:$0xC], $0x6400, $0x38;
	[tilespmem:$0x1AF40] =	vst v63  }
0x1c3: {  	_ =	swait.ge [sflag:s25], $0x6400  }
0x1c4: {  	[sflag:s25] =	ssyncset.done $0x0  }
0x1c5: {  	s26 =	simm.s32 $0xA;
	[sflag:s25] =	ssyncadd.s32 $0xFFFF9C00  }
0x1c6: {  	_ =	swait.ge [sflag:s26], $0x6400  }
0x1c7: {  	[sflag:s26] =	ssyncset.done $0x0  }
0x1c8: {  	s28 =	simm.s32 $0xB;
	[sflag:s26] =	ssyncadd.s32 $0xFFFF9C00  }
0x1c9: {  	_ =	swait.ge [sflag:s28], $0x6400  }
0x1ca: {  	[sflag:s28] =	ssyncset.done $0x0  }
0x1cb: {  	s29 =	simm.s32 $0xC;
	[sflag:s28] =	ssyncadd.s32 $0xFFFF9C00  }
0x1cc: {  	_ =	swait.ge [sflag:s29], $0x6400  }
0x1cd: {  	s30 =	rddreg [dreg:$0x1a]  }
0x1ce: {  	s31 =	rddreg [dreg:$0x17];
	s2 =	sadd.s32 $0x1, s30  }
0x1cf: {  	p1 =	sne.s32 s2, s31  }
.Ltmp1:
0x1d0: {  	_ = 	snop;
	(pc) =	sbr.rel @p1 .LBB2_1-.Ltmp1, $3  }
0x1d1: {  	_ =	sdelay $0x1  }
0x1d2: {  	[sflag:s29] =	ssyncset.done $0x0  }
0x1d3: {  	[sflag:s29] =	ssyncadd.s32 $0xFFFF9C00  }
0x1d4: {  	_ =	sfence.sel $0x180000  }
0x1d5: {  	[bflag:$0x0] =	sbarrier.arrive $0xFFFF  }
0x1d6: {  	_ =	strace $0x90000047  }
0x1d7: {  	[bflag:$0x2] =	sbarrier.arrive $0xFFFF  }
0x1d8: {  	s0 =	rddreg [dreg:$0x3]  }
0x1d9: {  	s0 =	sadd.s32 @!p0 $0x100000, s0  }
0x1da: {  	[sflag:s0] =	ssyncadd.tile.s32 @!p0 $0x1;
	_ =	shalt  }
.Lfunc_end2:
_tile_overlayer_lowered:
.L_overlay_start_2:
0x1db: {  	(tag) =	ssettag $0x2  }
0x1dc: {  	s0 =	rddreg [dreg:$0x0];
	s2 =	stileid.u32  }
0x1dd: {  	s1 =	rddreg [dreg:$0x1];
	p0 =	sne.s32 s2, $0x0  }
0x1de: {  	s3 =	rddreg [dreg:$0x2];
	[bflag:$0x3] =	sbarrier.arrive $0xFFFF;
	s2 =	simm.s32 @!p0 $0x1C0D  }
0x1df: {  	[timem:s3], [sflag:s2] =	dma.local @!p0 [hbm:s0], s1  }
0x1e0: {  	s0 =	simm.s32 @!p0 $0xD  }
0x1e1: {  	_ =	swait.ge @!p0 [sflag:s0], s1  }
0x1e2: {  	s1 =	ssub.s32 @!p0 $0x0, s1;
	[sflag:s0] =	ssyncset.done @!p0 $0x0  }
0x1e3: {  	[sflag:s0] =	ssyncadd.s32 @!p0 s1  }
0x1e4: {  	[bflag:$0x3] =	sbarrier.arrive $0xFFFF  }
0x1e5: {  	_ =	shalt  }

// kernel: sparse-core-data-format-call.cloned.1.call-start
scs
called_computation_lowered:
.L_overlay_start_0:
0x0: {  	s2 =	sld [smem:$0x3FD9]  }
0x1: {  	s3 =	sld [smem:$0x3FFE];
	_ =	sdelay $0x1  }
0x2: {  	s1 =	srdreg.scid  }
0x3: {  	s0 =	sand.u32 $0x1, s1  }
0x4: {  	s18 =	sshll.u32 s0, $0xA;
	s2 =	sadd.s32 s3, s2  }
0x5: {  	s2 =	sadd.s32 s2, s18  }
0x6: {  	[smem:$0x3FC5] =	sst s2  }
0x7: {  	_ = 	snop  }
0x8: {  	s2 =	sld [smem:$0x3FD0];
	(tm) =	ssettm $0x1  }
0x9: {  	s19 =	sld [smem:$0x3FFB];
	_ =	sdelay $0x3  }
0xa: {  	_ =	strace s19  }
0xb: {  	s3 =	sld [smem:$0x3FFC];
	_ =	sdelay $0x3  }
0xc: {  	_ =	strace s3  }
0xd: {  	s3 =	sld [smem:$0x3FFD];
	_ =	sdelay $0x3  }
0xe: {  	_ =	strace s3  }
0xf: {  	_ =	strace $0x8FFFFFFF  }
0x10: {  	s20 =	sld [smem:$0x3FDB];
	_ =	sdelay $0x1  }
0x11: {  	s4 =	simm.s32 $_scs_section_size  }
0x12: {  	s5 =	simm.s32 $_size__tile_overlayer_lowered;
	s6 =	simm.s32 $_tile_overlayer_lowered  }
0x13: {  	s23 =	simm.s32 $0x1BFF;
	s22 =	sshll.u32 s6, $0x1;
	s3 =	sadd.s32 s4, s20  }
0x14: {  	s7 =	simm.s32 $0x0;
	s21 =	sshll.u32 s5, $0x1;
	s5 =	sadd.s32 s22, s3  }
0x15: {  	[timem:s7], [sflag:s23] =	dma.local [hbm:s5], s21  }
0x16: {  	_ =	swait.ge [sflag:s23], s21  }
0x17: {  	s4 =	ssub.s32 $0x0, s21;
	[sflag:s23] =	ssyncset.done $0x0  }
0x18: {  	[sflag:s23] =	ssyncadd.s32 s4;
	_ =	sdelay $0x1  }
0x19: {  	s24 =	simm.s32 $0x1B8B  }
0x1a: {  	_ =	swait.ge [sflag:s24], $0x1  }
0x1b: {  	[sflag:s24] =	ssyncset.done $0x0  }
0x1c: {  	s26 =	simm.s32 $0x1B8E;
	s25 =	sld [smem:$0x3FFE];
	[sflag:s24] =	ssyncadd.s32 $0xFFFFFFFF  }
0x1d: {  	s27 =	simm.s32 $execute0_lowered;
	[smem:$0x3FD2] =	sst s26  }
0x1e: {  	s5 =	sshll.u32 s27, $0x1;
	_ =	strace $0x80000049;
	[dreg:$0x1] =	wrdreg $0xFFFFFFFF  }
0x1f: {  	s28 =	simm.s32 $_size_execute0_lowered;
	s3 =	sadd.s32 s3, s5;
	[dreg:$0x0] =	wrdreg $0x0  }
0x20: {  	s5 =	sshll.u32 s28, $0x1;
	[dreg:$0x2] =	wrdreg s3  }
0x21: {  	[dreg:$0x3] =	wrdreg s5  }
0x22: {  	[dreg:$0x4] =	wrdreg $0xC0  }
0x23: {  	_ =	task [dreg:s7], $0x5FFFF  }
0x24: {  	[dreg:$0x1] =	wrdreg $0xFFFFFFFF  }
0x25: {  	[dreg:$0x0] =	wrdreg $0x60  }
0x26: {  	[dreg:$0x2] =	wrdreg s25  }
0x27: {  	[dreg:$0x3] =	wrdreg s2  }
0x28: {  	[dreg:$0x4] =	wrdreg $0x9  }
0x29: {  	_ =	task.clear_ibuf [dreg:s7], $0x5FFFF;
	_ =	strace $0x90000049  }
0x2a: {  	s29 =	simm.s32 $0x9;
	_ =	strace $0x8000004B  }
0x2b: {  	_ =	swait.ge [sflag:s29], $0x1  }
0x2c: {  	[sflag:s29] =	ssyncadd.s32 $0xFFFFFFFF  }
0x2d: {  	_ =	strace $0x9000004B  }
0x2e: {  	_ =	sfence  }
0x2f: {  	s30 =	sld [smem:$0x0];
	_ =	sdelay $0x2  }
0x30: {  	s31 =	sshll.u32 s1, $0xD;
	s1 =	sshrl.u32 s1, $0x2  }
0x31: {  	s3 =	sand.u32 $0x4000, s31;
	s1 =	sadd.s32 s1, s30  }
0x32: {  	s0 =	sor.u32 s3, s0;
	s1 =	sshll.u32 s1, $0x11  }
0x33: {  	s0 =	sor.u32 s1, s0  }
0x34: {  	s0 =	sadd.s32 $0x8F2B, s0  }
0x35: {  	[sflag:s0] =	ssyncadd.remote.s32 $0x1  }
0x36: {  	_ =	sfence.sel $0xFFFF  }
0x37: {  	[dreg:$0x0] =	wrdreg $0xFFFFFFFF;
	(pc) =	sbr.abs _section_cstart, $3  }
0x38: {  	[dreg:$0x1] =	wrdreg $0xFFFFFFFF  }
0x39: {  	_ =	task.clear_ibuf [dreg:s7], $0x2FFFF;
	_ =	strace $0x9FFFFFFF  }
0x3a: {  	(tm) =	ssettm $0x7FFFFFFF  }
0x3b: {  	_ =	shalt  }
tec
execute0_lowered:
.L_overlay_start_1:
0x0: {  	(tag) =	ssettag $0x1  }
0x1: {  	s0 =	stileid.u32;
	s6 =	rddreg [dreg:$0x0]  }
0x2: {  	s2 =	rddreg [dreg:$0x1];
	s5 =	srdreg.scid  }
0x3: {  	s31 =	simm.s32 $0x2;
	s13 =	simm.s32 $0x0;
	s1 =	sshll.u32 s0, $0x7  }
0x4: {  	s14 =	simm.s32 $0x0;
	s12 =	simm.s32 $0x0;
	s3 =	sand.u32 $0x380, s1  }
0x5: {  	s5 =	sshll.u32 s5, $0x4;
	s6 =	sadd.s32 $0xF43C00, s6;
	s4 =	ssub.s32 $0x400, s3  }
0x6: {  	s1 =	rddreg [dreg:$0x2];
	_ =	strace $0x8000004A;
	s7 =	sand.u32 $0x380, s4  }
0x7: {  	s5 =	sand.u32 $0x10, s5;
	p0 =	sne.s32 s7, $0x0;
	s7 =	simm.s32 $0x1  }
.Ltmp0:
0x8: {  	s8 =	sshrl.u32 s4, $0xA;
	s7 =	simm.s32 @!p0 $0x0;
	(pc) =	sbr.rel .LBB1_1-.Ltmp0, $4  }
0x9: {  	s9 =	sor.u32 s0, s5;
	s4 =	simm.s32 $0x1;
	s30 =	sadd.s32 s7, s8  }
0xa: {  	s11 =	smov.u32 s3;
	[sflag:s4] =	ssyncpa.u1 $0x0;
	s5 =	smul.u32 $0x32, s30  }
0xb: {  	[sflag:s31] =	ssyncpa.u1 $0x0;
	p0 =	por $0x0, $0x0;
	s7 =	sshrl.u32 s9, $0x3  }
0xc: {  	s9 =	simm.s32 $0x2000;
	s10 =	smov.u32 s7;
	s8 =	sor.u32 $0x1, s5  }
.LBB1_4:
0xd: {  	s17 =	sand.u32 $0x1F80, s14;
	s13 =	sshll.u32 s13, $0xD  }
0xe: {  	[tilespmem:s16+$0x810 ss:$0x81] =	vst.msk $0xffff, v2;
	s18 =	sshrl.u32 s14, $0x3;
	s31 =	sand.u32 $0x7, s14;
	s17 =	sadd.s32 s2, s17  }
0xf: {  	[tilespmem:s16+$0x1020 ss:$0x81] =	vst.msk $0xffff, v0;
	s18 =	sand.u32 $0xF, s18;
	s14 =	sshll.u32 s31, $0x12;
	s13 =	sadd.s32 s13, s17  }
0x10: {  	[tilespmem:s16+$0x0 ss:$0x81] =	vst.msk $0xffff, v1;
	s14 =	sor.u32 $0x400, s14;
	s13 =	sadd.s32 s18, s13  }
0x11: {  	[hbm4b:s13+s14] =	stream.strided.scatter [tilespmem:s15], [sflag:$0x2], $0x2000, s9, s14, $0x20;
	[tilespmem:$0x8080] =	vst v63  }
.LBB1_5:
0x12: {  	s15 =	sadd.s32 $0x4, s10  }
0x13: {  	s13 =	sadd.s32 $0x400, s11;
	s17 =	smov.u32 s11;
	p2 =	sgt.s32 s15, $0xC7  }
0x14: {  	s17 =	smov.u32 @p2 s13  }
0x15: {  	s15 =	smov.u32 @p2 s7;
	p2 =	sgt.s32 s17, $0x3FF  }
0x16: {  	s17 =	smov.u32 @p2 s3;
	p2 =	sne.s32 s12, s8  }
.Ltmp1:
0x17: {  	p1 =	slt.u32 s12, $0x2;
	(pc) =	sbr.rel @!p2 .LBB1_6-.Ltmp1, $4  }
0x18: {  	s16 =	simm.s32 @!p1 $0x2  }
0x19: {  	s14 =	smov.u32 s11;
	p0 =	por !p0, !p0;
	_ =	swait.ge @!p1 [sflag:s16], $0x2000  }
0x1a: {  	s13 =	smov.u32 s10;
	[sflag:s16] =	ssyncset.done @!p1 $0x0;
	s10 =	smov.u32 s15  }
0x1b: {  	s12 =	sadd.s32 $0x1, s12;
	[sflag:s16] =	ssyncadd.s32 @!p1 $0xFFFFE000;
	s11 =	smov.u32 s17  }
.LBB1_1:
0x1c: {  	p1 =	sge.u32 s12, s5  }
0x1d: {  	s15 =	sand.u32 @!p1 $0x1FFFFFF, s10  }
0x1e: {  	s16 =	smulhi.u32 @!p1 $0x147AE15, s15;
	_ =	sdelay $0x1  }
0x1f: {  	s16 =	smul.u32 @!p1 $0xC8, s16  }
0x20: {  	s17 =	sxor.u32 @!p1 $0xFFFFFFFF, s12;
	s18 =	smul.u32 @!p1 $0xC80, s11  }
0x21: {  	s31 =	sadd.s32 $0xFFFFFFFF, s12;
	s17 =	sshll.u32 @!p1 s17, $0xD;
	s15 =	ssub.s32 @!p1 s15, s16  }
0x22: {  	s16 =	sand.u32 @!p1 $0x2000, s17;
	s17 =	sadd.s32 @!p1 s6, s18;
	s15 =	sshll.u32 @!p1 s15, $0x4  }
0x23: {  	s18 =	simm.s32 @!p1 $0x6400;
	s15 =	sadd.s32 @!p1 s15, s17;
	s17 =	simm.s32 @!p1 $0x40  }
0x24: {  	[tilespmem:s16], [sflag:$0x1] =	stream.strided.gather @!p1 [hbm4b:s15+s17], $0x2000, s18, s17, $0x38;
	[tilespmem:$0x8080] =	vst v63  }
0x25: {  	p1 =	sge.u32 s31, s5  }
.Ltmp2:
0x26: {  	_ = 	snop;
	(pc) =	sbr.rel @p1 .LBB1_5-.Ltmp2, $1  }
0x27: {  	_ =	sdelay $0x3  }
0x28: {  	s15 =	simm.s32 $0x1  }
0x29: {  	_ =	swait.ge [sflag:s4], $0x2000;
	s15 =	simm.s32 @!p0 $0x0  }
0x2a: {  	[sflag:s4] =	ssyncset.done $0x0;
	s16 =	sshll.u32 s15, $0xD  }
0x2b: {  	[sflag:s4] =	ssyncadd.s32 $0xFFFFE000;
	s19 =	sor.u32 $0x20, s16  }
0x2c: {  	s15 =	smul.u32 $0x8100, s15;
	v3 =	vld [tilespmem:s19+$0x10]  }
0x2d: {  	s30 =	sand.u32 $0x1, s12;
	v2 =	vld [tilespmem:s19+$0xFFFFFFF0]  }
0x2e: {  	s16 =	smul.u32 $0x8100, s30;
	s15 =	sshrl.u32 s15, $0x2;
	v0 =	vld [tilespmem:s19+$0x0]  }
0x2f: {  	v1 =	vld [tilespmem:s19+$0xFFFFFFE0];
	s17 =	sor.u32 $0x4000, s15  }
0x30: {  	s31 =	sshrl.u32 s16, $0x2;
	s16 =	sadd.s32 $0x0, s17  }
0x31: {  	s18 =	simm.s32 $0x4;
	s19 =	sadd.s32 $0x40, s19;
	s15 =	sor.u32 $0x4000, s31;
	[tilespmem:s16+$0x1830 ss:$0x81] =	vst.msk $0xffff, v3  }
.LBB1_3:
0x32: {  	v3 =	vld [tilespmem:s19+$0x10];
	p1 =	sne.s32 s18, $0x1FC;
	[tilespmem:s16+$0x810 ss:$0x81] =	vst.msk $0xffff, v2;
	s20 =	smov.u32 s18;
	s18 =	sadd.s32 $0x4, s18  }
.Ltmp3:
0x33: {  	v2 =	vld [tilespmem:s19+$0xFFFFFFF0];
	[tilespmem:s16+$0x1020 ss:$0x81] =	vst.msk $0xffff, v0;
	(pc) =	sbr.rel @p1 .LBB1_3-.Ltmp3, $4  }
0x34: {  	v0 =	vld [tilespmem:s19+$0x0];
	[tilespmem:s16+$0x0 ss:$0x81] =	vst.msk $0xffff, v1  }
0x35: {  	s16 =	sshra.s32 s20, $0x2;
	v1 =	vld [tilespmem:s19+$0xFFFFFFE0]  }
0x36: {  	s16 =	sadd.s32 s16, s17  }
0x37: {  	s19 =	sadd.s32 $0x40, s19;
	[tilespmem:s16+$0x1830 ss:$0x81] =	vst.msk $0xffff, v3  }
.Ltmp4:
0x38: {  	_ = 	snop;
	(pc) =	sbr.rel .LBB1_4-.Ltmp4, $1  }
0x39: {  	_ =	sdelay $0x3  }
.LBB1_6:
0x3a: {  	_ =	sfence.sel $0x180000  }
0x3b: {  	s2 =	simm.s32 $0x1;
	[bflag:$0x0] =	sbarrier.arrive $0xFFFF  }
0x3c: {  	s31 =	simm.s32 $0x2;
	[sflag:s2] =	ssyncpa.u1 $0x1  }
0x3d: {  	[sflag:s31] =	ssyncpa.u1 $0x1  }
0x3e: {  	p0 =	sne.s32 s0, $0x0;
	_ =	strace $0x9000004A  }
0x3f: {  	s0 =	sadd.s32 @!p0 $0x100000, s1;
	[bflag:$0x2] =	sbarrier.arrive $0xFFFF  }
0x40: {  	[sflag:s0] =	ssyncadd.tile.s32 @!p0 $0x1;
	_ =	shalt  }
.Lfunc_end1:
_tile_overlayer_lowered:
.L_overlay_start_2:
0x41: {  	(tag) =	ssettag $0x2  }
0x42: {  	s0 =	rddreg [dreg:$0x0];
	s2 =	stileid.u32  }
0x43: {  	s1 =	rddreg [dreg:$0x1];
	p0 =	sne.s32 s2, $0x0  }
0x44: {  	s3 =	rddreg [dreg:$0x2];
	[bflag:$0x3] =	sbarrier.arrive $0xFFFF;
	s2 =	simm.s32 @!p0 $0x1C01  }
0x45: {  	[timem:s3], [sflag:s2] =	dma.local @!p0 [hbm:s0], s1  }
0x46: {  	s0 =	simm.s32 @!p0 $0x1  }
0x47: {  	_ =	swait.ge @!p0 [sflag:s0], s1  }
0x48: {  	s1 =	ssub.s32 @!p0 $0x0, s1;
	[sflag:s0] =	ssyncset.done @!p0 $0x0  }
0x49: {  	[sflag:s0] =	ssyncadd.s32 @!p0 s1  }
0x4a: {  	[bflag:$0x3] =	sbarrier.arrive $0xFFFF  }
0x4b: {  	_ =	shalt  }

</sc_bundles>
